<compile_context>
chip_gen: v7x
topology: tpu7x:2x2x1
jax: 0.10.2.dev20260603
libtpu: 0.0.44.dev20260713+nightly
codegen_flags: <defaults>
</compile_context>

<pallas_src>
import functools
import math

import numpy as np
import jax
import jax.numpy as jnp
from jax import lax
from jax.experimental import pallas as pl
from jax.experimental.pallas import tpu as pltpu
from jax.experimental.pallas import tpu_sc as plsc

_MAX_SEQ = 200
_D = 64
_L = 16
_NC, _NS = 2, 16
_NW = _NC * _NS
_NBUF = 4
_UNROLL = 2
_SKEW = 137


def _pe_np(max_seq, d):
    pos = np.arange(max_seq, dtype=np.float32)[:, None]
    even_idx = np.arange(0, d, 2, dtype=np.float32)
    odd_idx = np.arange(1, d, 2, dtype=np.float32)
    even_div = np.power(10000.0, 2.0 * even_idx / d, dtype=np.float32)
    odd_div = np.power(10000.0, 2.0 * odd_idx / d, dtype=np.float32)
    pe = np.zeros((max_seq, d), dtype=np.float32)
    pe[:, 0::2] = np.sin(pos / even_div, dtype=np.float32)
    pe[:, 1::2] = np.cos(pos / odd_div, dtype=np.float32)
    return pe


@functools.lru_cache(maxsize=None)
def _make_embed(batch, seq, d):
    assert batch % _NW == 0
    bc = batch // _NW
    scale = float(math.sqrt(d))

    mesh = plsc.VectorSubcoreMesh(
        core_axis_name="c", subcore_axis_name="s",
        num_cores=_NC, num_subcores=_NS)

    def body(xt_hbm, table_hbm, pe_hbm, out_hbm,
             idx_v, pe_v, gbuf, obuf, gsems, osems):
        wid = lax.axis_index("s") * _NC + lax.axis_index("c")
        b0 = wid * bc
        pltpu.sync_copy(xt_hbm.at[:, pl.ds(b0, bc)], idx_v)
        pltpu.sync_copy(pe_hbm, pe_v)

        dq = [lax.iota(jnp.int32, 16) + 16 * c for c in range(d // _L)]
        dhi = [q >> 3 for q in dq]
        dlo = [q & 7 for q in dq]

        def start_gather(s, k):
            pltpu.async_copy(table_hbm.at[idx_v.at[s]], gbuf[k], gsems[k])

        def wait_gather(s, k):
            pltpu.make_async_copy(
                table_hbm.at[idx_v.at[s]], gbuf[k], gsems[k]).wait()

        def start_store(s, k):
            pltpu.async_copy(
                obuf[k].at[:, :, pl.ds(0, bc)], out_hbm.at[s, :, wid],
                osems[k])

        def wait_store(s, k):
            pltpu.make_async_copy(
                obuf[k].at[:, :, pl.ds(0, bc)], out_hbm.at[s, :, wid],
                osems[k]).wait()

        for k in range(_NBUF):
            start_gather(k, k)

        def outer(i, carry):
            for k in range(_NBUF):
                s = i * _NBUF + k
                wait_gather(s, k)

                @pl.when(s >= _NBUF)
                def _():
                    wait_store(s - _NBUF, k)

                pe_row = [pe_v[s, pl.ds(16 * c, 16)] for c in range(d // _L)]

                def fma_rows(rr, c2):
                    r0 = rr * _UNROLL
                    vals = []
                    for u in range(_UNROLL):
                        r = r0 + u
                        rv = jnp.full((16,), r, jnp.int32)
                        for c in range(d // _L):
                            v = (gbuf[k][r, pl.ds(16 * c, 16)] * scale
                                 + pe_row[c])
                            vals.append(([dhi[c], dlo[c], rv], v))
                    for idx, v in vals:
                        plsc.store_scatter(obuf[k], idx, v)
                    return c2

                lax.fori_loop(0, bc // _UNROLL, fma_rows, 0)

                @pl.when(s + _NBUF < seq)
                def _():
                    start_gather(s + _NBUF, k)

                start_store(s, k)
            return carry

        lax.fori_loop(0, seq // _NBUF, outer, 0)

        for k in range(_NBUF):
            wait_store(seq - _NBUF + k, k)

    return pl.kernel(
        body,
        out_type=jax.ShapeDtypeStruct((seq, d // 8, _NW, 8, bc),
                                      jnp.float32),
        mesh=mesh,
        scratch_types=[
            pltpu.VMEM((seq, bc), jnp.int32),
            pltpu.VMEM((_MAX_SEQ, d), jnp.float32),
            [pltpu.VMEM((bc, d), jnp.float32) for _ in range(_NBUF)],
            [pltpu.VMEM((d // 8, 8, _SKEW), jnp.float32)
             for _ in range(_NBUF)],
            [pltpu.SemaphoreType.DMA for _ in range(_NBUF)],
            [pltpu.SemaphoreType.DMA for _ in range(_NBUF)],
        ],
        compiler_params=pltpu.CompilerParams(
            use_tc_tiling_on_sc=False, needs_layout_passes=False),
    )


def kernel(x, table):
    b, s = x.shape
    d = table.shape[1]
    xt = x.T.astype(jnp.int32)
    pe = jnp.asarray(_pe_np(_MAX_SEQ, d))
    out5 = _make_embed(b, s, d)(xt, table, pe)
    return out5.transpose(2, 4, 0, 1, 3).reshape(b, s, d)

# --- scband reference (transcript-rebuilt; emitter-appended) ---
"""Pipeline reference for scband-transformer-embedding-25881472926093 (READ-ONLY COPY).

The authoritative reference and input builder live on the scoring server;
editing this copy changes nothing except your own understanding.
"""

import jax, jax.numpy as jnp
import numpy as np
import math

VOCAB = 1000000
MAX_SEQ = 200
EMBED_DIM = 64
BATCH = 4096
SEQ = 200


def _positional_encoding(max_seq_len, d):
    # Faithful vectorized translation of the (non-standard) loop:
    #   pe[pos, i]   = sin(pos / 10000 ** (2*i/d))       for even i
    #   pe[pos, i+1] = cos(pos / 10000 ** (2*(i+1)/d))   for odd index i+1
    pos = jnp.arange(max_seq_len, dtype=jnp.float32)[:, None]
    even_idx = jnp.arange(0, d, 2, dtype=jnp.float32)
    odd_idx = jnp.arange(1, d, 2, dtype=jnp.float32)
    even_div = jnp.power(10000.0, 2.0 * even_idx / d)
    odd_div = jnp.power(10000.0, 2.0 * odd_idx / d)
    pe = jnp.zeros((max_seq_len, d), dtype=jnp.float32)
    pe = pe.at[:, 0::2].set(jnp.sin(pos / even_div))
    pe = pe.at[:, 1::2].set(jnp.cos(pos / odd_div))
    return pe[None, :, :]  # [1, max_seq_len, d]


def setup_inputs(seed: int = 0) -> dict:
    key = jax.random.key(seed)
    k1, k2 = jax.random.split(key)
    x = jax.random.randint(k1, (BATCH, SEQ), 0, VOCAB, dtype=jnp.int64 if jax.config.jax_enable_x64 else jnp.int32)
    table = jax.random.normal(k2, (VOCAB, EMBED_DIM), dtype=jnp.float32)
    return {"x": x, "table": table}


def reference(x, table):
    d = table.shape[1]
    seq_len = x.shape[1]
    # word embedding lookup (gather)
    emb = jnp.take(table, x, axis=0)  # [B, S, d]
    # positional embedding: scale then add pe (eval mode -> dropout is identity)
    pe = _positional_encoding(MAX_SEQ, d)
    out = emb * math.sqrt(d) + pe[:, :seq_len]
    return out

if __name__ == "__main__":
    import jax
    _d = setup_inputs()
    print(jax.jit(kernel)(*tuple(_d.values())))

</pallas_src>

<mosaic_0001>
#map = affine_map<(d0, d1) -> (0, 0)>
#map1 = affine_map<(d0, d1) -> (0, 0, 0, 0, 0)>
module attributes {stable_mosaic.version = 14 : i64} {
  func.func @body(%arg0: i32, %arg1: i32, %arg2: memref<200x4096xi32, #tpu.memory_space<hbm>>, %arg3: memref<1000000x64xf32, #tpu.memory_space<hbm>>, %arg4: memref<200x64xf32, #tpu.memory_space<hbm>>, %arg5: memref<200x8x32x8x128xf32, #tpu.memory_space<hbm>>, %arg6: memref<200x128xi32, #tpu.memory_space<vmem>>, %arg7: memref<200x64xf32, #tpu.memory_space<vmem>>, %arg8: memref<128x64xf32, #tpu.memory_space<vmem>>, %arg9: memref<128x64xf32, #tpu.memory_space<vmem>>, %arg10: memref<128x64xf32, #tpu.memory_space<vmem>>, %arg11: memref<128x64xf32, #tpu.memory_space<vmem>>, %arg12: memref<8x8x137xf32, #tpu.memory_space<vmem>>, %arg13: memref<8x8x137xf32, #tpu.memory_space<vmem>>, %arg14: memref<8x8x137xf32, #tpu.memory_space<vmem>>, %arg15: memref<8x8x137xf32, #tpu.memory_space<vmem>>, %arg16: memref<!tpu.dma_semaphore, #tpu.memory_space<semaphore_mem>>, %arg17: memref<!tpu.dma_semaphore, #tpu.memory_space<semaphore_mem>>, %arg18: memref<!tpu.dma_semaphore, #tpu.memory_space<semaphore_mem>>, %arg19: memref<!tpu.dma_semaphore, #tpu.memory_space<semaphore_mem>>, %arg20: memref<!tpu.dma_semaphore, #tpu.memory_space<semaphore_mem>>, %arg21: memref<!tpu.dma_semaphore, #tpu.memory_space<semaphore_mem>>, %arg22: memref<!tpu.dma_semaphore, #tpu.memory_space<semaphore_mem>>, %arg23: memref<!tpu.dma_semaphore, #tpu.memory_space<semaphore_mem>>) attributes {dimension_semantics = [#tpu.dimension_semantics<core_parallel>, #tpu.dimension_semantics<subcore_parallel>], iteration_bounds = array<i64: 2, 16>, scalar_prefetch = 0 : i64, scratch_operands = 18 : i64, tpu.core_type = #tpu.core_type<sc_vector_subcore>, window_params = [{transform_indices = #map}, {transform_indices = #map}, {transform_indices = #map}, {transform_indices = #map1}]} {
    %mul3A = arith.constant 2 : i32
    %mul3A_0 = arith.muli %arg1, %mul3A : i32
    %add3A = arith.addi %mul3A_0, %arg0 : i32
    %mul3A_1 = arith.constant 128 : i32
    %mul3A_2 = arith.muli %add3A, %mul3A_1 : i32
    "tpu.region"() ({
      %run_scoped3A = tpu.sem_alloc : memref<!tpu.dma_semaphore, #tpu.memory_space<semaphore_mem>>
      %dma_start3A_147 = arith.constant 0 : i32
      %dma_start3A_148 = tpu.memref_slice %arg2[%dma_start3A_147, %mul3A_2] : memref<200x4096xi32, #tpu.memory_space<hbm>> -> memref<200x128xi32, #tpu.memory_space<hbm>>
      %dma_start3A_149 = arith.constant 0 : i32
      %dma_start3A_150 = tpu.memref_slice %arg2[%dma_start3A_149, %mul3A_2] : memref<200x4096xi32, #tpu.memory_space<hbm>> -> memref<200x128xi32, #tpu.memory_space<hbm>>
      tpu.enqueue_dma source(%dma_start3A_150 : memref<200x128xi32, #tpu.memory_space<hbm>>) target(%arg6 : memref<200x128xi32, #tpu.memory_space<vmem>>) target_semaphore(%run_scoped3A : memref<!tpu.dma_semaphore, #tpu.memory_space<semaphore_mem>>)
      %dma_wait3A_151 = arith.constant 0 : i32
      %dma_wait3A_152 = tpu.memref_slice %arg2[%dma_wait3A_151, %mul3A_2] : memref<200x4096xi32, #tpu.memory_space<hbm>> -> memref<200x128xi32, #tpu.memory_space<hbm>>
      %dma_wait3A_153 = arith.constant 0 : i32
      %dma_wait3A_154 = tpu.memref_slice %arg2[%dma_wait3A_153, %mul3A_2] : memref<200x4096xi32, #tpu.memory_space<hbm>> -> memref<200x128xi32, #tpu.memory_space<hbm>>
      tpu.wait_dma2 semaphore(%run_scoped3A : memref<!tpu.dma_semaphore, #tpu.memory_space<semaphore_mem>>) src(%dma_wait3A_154 : memref<200x128xi32, #tpu.memory_space<hbm>>) dst(%arg6 : memref<200x128xi32, #tpu.memory_space<vmem>>)
      tpu.yield
    }) : () -> ()
    "tpu.region"() ({
      %run_scoped3A = tpu.sem_alloc : memref<!tpu.dma_semaphore, #tpu.memory_space<semaphore_mem>>
      tpu.enqueue_dma source(%arg4 : memref<200x64xf32, #tpu.memory_space<hbm>>) target(%arg7 : memref<200x64xf32, #tpu.memory_space<vmem>>) target_semaphore(%run_scoped3A : memref<!tpu.dma_semaphore, #tpu.memory_space<semaphore_mem>>)
      tpu.wait_dma2 semaphore(%run_scoped3A : memref<!tpu.dma_semaphore, #tpu.memory_space<semaphore_mem>>) src(%arg4 : memref<200x64xf32, #tpu.memory_space<hbm>>) dst(%arg7 : memref<200x64xf32, #tpu.memory_space<vmem>>)
      tpu.yield
    }) : () -> ()
    %iota3A = tpu.iota {dimensions = array<i32: 0>} : vector<16xi32>
    %add3A_3 = arith.constant 0 : i32
    %add3A_4 = vector.broadcast %add3A_3 : i32 to vector<16xi32>
    %add3A_5 = arith.addi %iota3A, %add3A_4 : vector<16xi32>
    %iota3A_6 = tpu.iota {dimensions = array<i32: 0>} : vector<16xi32>
    %add3A_7 = arith.constant 16 : i32
    %add3A_8 = vector.broadcast %add3A_7 : i32 to vector<16xi32>
    %add3A_9 = arith.addi %iota3A_6, %add3A_8 : vector<16xi32>
    %iota3A_10 = tpu.iota {dimensions = array<i32: 0>} : vector<16xi32>
    %add3A_11 = arith.constant 32 : i32
    %add3A_12 = vector.broadcast %add3A_11 : i32 to vector<16xi32>
    %add3A_13 = arith.addi %iota3A_10, %add3A_12 : vector<16xi32>
    %iota3A_14 = tpu.iota {dimensions = array<i32: 0>} : vector<16xi32>
    %add3A_15 = arith.constant 48 : i32
    %add3A_16 = vector.broadcast %add3A_15 : i32 to vector<16xi32>
    %add3A_17 = arith.addi %iota3A_14, %add3A_16 : vector<16xi32>
    %shift_right_arithmetic3A = arith.constant 3 : i32
    %shift_right_arithmetic3A_18 = vector.broadcast %shift_right_arithmetic3A : i32 to vector<16xi32>
    %shift_right_arithmetic3A_19 = arith.shrsi %add3A_5, %shift_right_arithmetic3A_18 : vector<16xi32>
    %shift_right_arithmetic3A_20 = arith.constant 3 : i32
    %shift_right_arithmetic3A_21 = vector.broadcast %shift_right_arithmetic3A_20 : i32 to vector<16xi32>
    %shift_right_arithmetic3A_22 = arith.shrsi %add3A_9, %shift_right_arithmetic3A_21 : vector<16xi32>
    %shift_right_arithmetic3A_23 = arith.constant 3 : i32
    %shift_right_arithmetic3A_24 = vector.broadcast %shift_right_arithmetic3A_23 : i32 to vector<16xi32>
    %shift_right_arithmetic3A_25 = arith.shrsi %add3A_13, %shift_right_arithmetic3A_24 : vector<16xi32>
    %shift_right_arithmetic3A_26 = arith.constant 3 : i32
    %shift_right_arithmetic3A_27 = vector.broadcast %shift_right_arithmetic3A_26 : i32 to vector<16xi32>
    %shift_right_arithmetic3A_28 = arith.shrsi %add3A_17, %shift_right_arithmetic3A_27 : vector<16xi32>
    %and3A = arith.constant 7 : i32
    %and3A_29 = vector.broadcast %and3A : i32 to vector<16xi32>
    %and3A_30 = arith.andi %add3A_5, %and3A_29 : vector<16xi32>
    %and3A_31 = arith.constant 7 : i32
    %and3A_32 = vector.broadcast %and3A_31 : i32 to vector<16xi32>
    %and3A_33 = arith.andi %add3A_9, %and3A_32 : vector<16xi32>
    %and3A_34 = arith.constant 7 : i32
    %and3A_35 = vector.broadcast %and3A_34 : i32 to vector<16xi32>
    %and3A_36 = arith.andi %add3A_13, %and3A_35 : vector<16xi32>
    %and3A_37 = arith.constant 7 : i32
    %and3A_38 = vector.broadcast %and3A_37 : i32 to vector<16xi32>
    %and3A_39 = arith.andi %add3A_17, %and3A_38 : vector<16xi32>
    %dma_start3A = arith.constant 0 : i32
    %dma_start3A_40 = arith.constant 0 : i32
    %dma_start3A_41 = tpu.memref_slice %arg6[%dma_start3A, %dma_start3A_40] : memref<200x128xi32, #tpu.memory_space<vmem>> -> memref<1x128xi32, #tpu.memory_space<vmem>>
    %dma_start3A_42 = tpu.memref_squeeze %dma_start3A_41 : memref<1x128xi32, #tpu.memory_space<vmem>> -> memref<128xi32, #tpu.memory_space<vmem>>
    %dma_start3A_43 = arith.constant 0 : i32
    %dma_start3A_44 = arith.constant 0 : i32
    %dma_start3A_45 = tpu.memref_slice %arg3[%dma_start3A_43, %dma_start3A_44] : memref<1000000x64xf32, #tpu.memory_space<hbm>> -> memref<1000000x64xf32, #tpu.memory_space<hbm>>
    tpu.enqueue_indirect_dma source(%dma_start3A_45 : memref<1000000x64xf32, #tpu.memory_space<hbm>>) target(%arg8 : memref<128x64xf32, #tpu.memory_space<vmem>>) offsets(%dma_start3A_42 : memref<128xi32, #tpu.memory_space<vmem>>) semaphore(%arg16 : memref<!tpu.dma_semaphore, #tpu.memory_space<semaphore_mem>>)
    %dma_start3A_46 = arith.constant 1 : i32
    %dma_start3A_47 = arith.constant 0 : i32
    %dma_start3A_48 = tpu.memref_slice %arg6[%dma_start3A_46, %dma_start3A_47] : memref<200x128xi32, #tpu.memory_space<vmem>> -> memref<1x128xi32, #tpu.memory_space<vmem>>
    %dma_start3A_49 = tpu.memref_squeeze %dma_start3A_48 : memref<1x128xi32, #tpu.memory_space<vmem>> -> memref<128xi32, #tpu.memory_space<vmem>>
    %dma_start3A_50 = arith.constant 0 : i32
    %dma_start3A_51 = arith.constant 0 : i32
    %dma_start3A_52 = tpu.memref_slice %arg3[%dma_start3A_50, %dma_start3A_51] : memref<1000000x64xf32, #tpu.memory_space<hbm>> -> memref<1000000x64xf32, #tpu.memory_space<hbm>>
    tpu.enqueue_indirect_dma source(%dma_start3A_52 : memref<1000000x64xf32, #tpu.memory_space<hbm>>) target(%arg9 : memref<128x64xf32, #tpu.memory_space<vmem>>) offsets(%dma_start3A_49 : memref<128xi32, #tpu.memory_space<vmem>>) semaphore(%arg17 : memref<!tpu.dma_semaphore, #tpu.memory_space<semaphore_mem>>)
    %dma_start3A_53 = arith.constant 2 : i32
    %dma_start3A_54 = arith.constant 0 : i32
    %dma_start3A_55 = tpu.memref_slice %arg6[%dma_start3A_53, %dma_start3A_54] : memref<200x128xi32, #tpu.memory_space<vmem>> -> memref<1x128xi32, #tpu.memory_space<vmem>>
    %dma_start3A_56 = tpu.memref_squeeze %dma_start3A_55 : memref<1x128xi32, #tpu.memory_space<vmem>> -> memref<128xi32, #tpu.memory_space<vmem>>
    %dma_start3A_57 = arith.constant 0 : i32
    %dma_start3A_58 = arith.constant 0 : i32
    %dma_start3A_59 = tpu.memref_slice %arg3[%dma_start3A_57, %dma_start3A_58] : memref<1000000x64xf32, #tpu.memory_space<hbm>> -> memref<1000000x64xf32, #tpu.memory_space<hbm>>
    tpu.enqueue_indirect_dma source(%dma_start3A_59 : memref<1000000x64xf32, #tpu.memory_space<hbm>>) target(%arg10 : memref<128x64xf32, #tpu.memory_space<vmem>>) offsets(%dma_start3A_56 : memref<128xi32, #tpu.memory_space<vmem>>) semaphore(%arg18 : memref<!tpu.dma_semaphore, #tpu.memory_space<semaphore_mem>>)
    %dma_start3A_60 = arith.constant 3 : i32
    %dma_start3A_61 = arith.constant 0 : i32
    %dma_start3A_62 = tpu.memref_slice %arg6[%dma_start3A_60, %dma_start3A_61] : memref<200x128xi32, #tpu.memory_space<vmem>> -> memref<1x128xi32, #tpu.memory_space<vmem>>
    %dma_start3A_63 = tpu.memref_squeeze %dma_start3A_62 : memref<1x128xi32, #tpu.memory_space<vmem>> -> memref<128xi32, #tpu.memory_space<vmem>>
    %dma_start3A_64 = arith.constant 0 : i32
    %dma_start3A_65 = arith.constant 0 : i32
    %dma_start3A_66 = tpu.memref_slice %arg3[%dma_start3A_64, %dma_start3A_65] : memref<1000000x64xf32, #tpu.memory_space<hbm>> -> memref<1000000x64xf32, #tpu.memory_space<hbm>>
    tpu.enqueue_indirect_dma source(%dma_start3A_66 : memref<1000000x64xf32, #tpu.memory_space<hbm>>) target(%arg11 : memref<128x64xf32, #tpu.memory_space<vmem>>) offsets(%dma_start3A_63 : memref<128xi32, #tpu.memory_space<vmem>>) semaphore(%arg19 : memref<!tpu.dma_semaphore, #tpu.memory_space<semaphore_mem>>)
    %scan3A = arith.constant 0 : i32
    %scan3A_67 = arith.constant 0 : i32
    %scan3A_68 = arith.constant 50 : i32
    %scan3A_69 = arith.addi %scan3A_67, %scan3A_68 : i32
    %scan3A_70 = arith.constant 1 : i32
    scf.for %scan3A_147 = %scan3A_67 to %scan3A_69 step %scan3A_70  : i32 {
      %mul3A_148 = arith.constant 4 : i32
      %mul3A_149 = arith.muli %scan3A_147, %mul3A_148 : i32
      %add3A_150 = arith.constant 0 : i32
      %add3A_151 = arith.addi %mul3A_149, %add3A_150 : i32
      %dma_wait3A_152 = arith.constant 0 : i32
      %dma_wait3A_153 = tpu.memref_slice %arg6[%add3A_151, %dma_wait3A_152] : memref<200x128xi32, #tpu.memory_space<vmem>> -> memref<1x128xi32, #tpu.memory_space<vmem>>
      %dma_wait3A_154 = tpu.memref_squeeze %dma_wait3A_153 : memref<1x128xi32, #tpu.memory_space<vmem>> -> memref<128xi32, #tpu.memory_space<vmem>>
      %dma_wait3A_155 = arith.constant 0 : i32
      %dma_wait3A_156 = arith.constant 0 : i32
      %dma_wait3A_157 = tpu.memref_slice %arg3[%dma_wait3A_155, %dma_wait3A_156] : memref<1000000x64xf32, #tpu.memory_space<hbm>> -> memref<1000000x64xf32, #tpu.memory_space<hbm>>
      tpu.wait_indirect_dma semaphore(%arg16 : memref<!tpu.dma_semaphore, #tpu.memory_space<semaphore_mem>>) src(%dma_wait3A_157 : memref<1000000x64xf32, #tpu.memory_space<hbm>>) dst(%arg8 : memref<128x64xf32, #tpu.memory_space<vmem>>)
      %ge3A = arith.constant 4 : i32
      %ge3A_158 = arith.cmpi sge, %add3A_151, %ge3A : i32
      %convert_element_type3A = arith.extui %ge3A_158 : i1 to i32
      %cond3A = arith.constant 0 : i32
      %cond3A_159 = arith.cmpi ne, %convert_element_type3A, %cond3A : i32
      scf.if %cond3A_159 {
        %sub3A = arith.constant 4 : i32
        %sub3A_375 = arith.subi %add3A_151, %sub3A : i32
        %dma_wait3A_376 = arith.constant 0 : i32
        %dma_wait3A_377 = arith.constant 0 : i32
        %dma_wait3A_378 = arith.constant 0 : i32
        %dma_wait3A_379 = tpu.memref_slice %arg12[%dma_wait3A_376, %dma_wait3A_377, %dma_wait3A_378] : memref<8x8x137xf32, #tpu.memory_space<vmem>> -> memref<8x8x128xf32, #tpu.memory_space<vmem>>
        %dma_wait3A_380 = arith.constant 0 : i32
        %dma_wait3A_381 = arith.constant 0 : i32
        %dma_wait3A_382 = arith.constant 0 : i32
        %dma_wait3A_383 = tpu.memref_slice %arg5[%sub3A_375, %dma_wait3A_380, %add3A, %dma_wait3A_381, %dma_wait3A_382] : memref<200x8x32x8x128xf32, #tpu.memory_space<hbm>> -> memref<1x8x1x8x128xf32, #tpu.memory_space<hbm>>
        %dma_wait3A_384 = tpu.memref_squeeze %dma_wait3A_383 : memref<1x8x1x8x128xf32, #tpu.memory_space<hbm>> -> memref<8x8x128xf32, #tpu.memory_space<hbm>>
        %dma_wait3A_385 = arith.constant 0 : i32
        %dma_wait3A_386 = arith.constant 0 : i32
        %dma_wait3A_387 = arith.constant 0 : i32
        %dma_wait3A_388 = tpu.memref_slice %arg5[%sub3A_375, %dma_wait3A_385, %add3A, %dma_wait3A_386, %dma_wait3A_387] : memref<200x8x32x8x128xf32, #tpu.memory_space<hbm>> -> memref<1x8x1x8x128xf32, #tpu.memory_space<hbm>>
        %dma_wait3A_389 = tpu.memref_squeeze %dma_wait3A_388 : memref<1x8x1x8x128xf32, #tpu.memory_space<hbm>> -> memref<8x8x128xf32, #tpu.memory_space<hbm>>
        %dma_wait3A_390 = arith.constant 0 : i32
        %dma_wait3A_391 = arith.constant 0 : i32
        %dma_wait3A_392 = arith.constant 0 : i32
        %dma_wait3A_393 = tpu.memref_slice %arg12[%dma_wait3A_390, %dma_wait3A_391, %dma_wait3A_392] : memref<8x8x137xf32, #tpu.memory_space<vmem>> -> memref<8x8x128xf32, #tpu.memory_space<vmem>>
        tpu.wait_dma2 semaphore(%arg20 : memref<!tpu.dma_semaphore, #tpu.memory_space<semaphore_mem>>) src(%dma_wait3A_393 : memref<8x8x128xf32, #tpu.memory_space<vmem>>) dst(%dma_wait3A_389 : memref<8x8x128xf32, #tpu.memory_space<hbm>>)
      } else {
      }
      %get3A = arith.index_cast %add3A_151 : i32 to index
      %get3A_160 = arith.constant 0 : index
      %get3A_161 = tpu.vector_load %arg7[%get3A, %get3A_160] {strides = array<i32>} : memref<200x64xf32, #tpu.memory_space<vmem>>, vector<16xf32>,
      %get3A_162 = arith.index_cast %add3A_151 : i32 to index
      %get3A_163 = arith.constant 16 : index
      %get3A_164 = tpu.vector_load %arg7[%get3A_162, %get3A_163] {strides = array<i32>} : memref<200x64xf32, #tpu.memory_space<vmem>>, vector<16xf32>,
      %get3A_165 = arith.index_cast %add3A_151 : i32 to index
      %get3A_166 = arith.constant 32 : index
      %get3A_167 = tpu.vector_load %arg7[%get3A_165, %get3A_166] {strides = array<i32>} : memref<200x64xf32, #tpu.memory_space<vmem>>, vector<16xf32>,
      %get3A_168 = arith.index_cast %add3A_151 : i32 to index
      %get3A_169 = arith.constant 48 : index
      %get3A_170 = tpu.vector_load %arg7[%get3A_168, %get3A_169] {strides = array<i32>} : memref<200x64xf32, #tpu.memory_space<vmem>>, vector<16xf32>,
      %scan3A_171 = arith.constant 0 : i32
      %scan3A_172 = arith.constant 0 : i32
      %scan3A_173 = arith.constant 64 : i32
      %scan3A_174 = arith.addi %scan3A_172, %scan3A_173 : i32
      %scan3A_175 = arith.constant 1 : i32
      scf.for %scan3A_375 = %scan3A_172 to %scan3A_174 step %scan3A_175  : i32 {
        %mul3A_376 = arith.constant 2 : i32
        %mul3A_377 = arith.muli %scan3A_375, %mul3A_376 : i32
        %add3A_378 = arith.constant 0 : i32
        %add3A_379 = arith.addi %mul3A_377, %add3A_378 : i32
        %broadcast_in_dim3A = vector.broadcast %add3A_379 : i32 to vector<16xi32>
        %get3A_380 = arith.index_cast %add3A_379 : i32 to index
        %get3A_381 = arith.constant 0 : index
        %get3A_382 = tpu.vector_load %arg8[%get3A_380, %get3A_381] {strides = array<i32>} : memref<128x64xf32, #tpu.memory_space<vmem>>, vector<16xf32>,
        %mul3A_383 = arith.constant 8.000000e+00 : f32
        %mul3A_384 = vector.broadcast %mul3A_383 : f32 to vector<16xf32>
        %mul3A_385 = arith.mulf %get3A_382, %mul3A_384 : vector<16xf32>
        %add3A_386 = arith.addf %mul3A_385, %get3A_161 : vector<16xf32>
        %get3A_387 = arith.index_cast %add3A_379 : i32 to index
        %get3A_388 = arith.constant 16 : index
        %get3A_389 = tpu.vector_load %arg8[%get3A_387, %get3A_388] {strides = array<i32>} : memref<128x64xf32, #tpu.memory_space<vmem>>, vector<16xf32>,
        %mul3A_390 = arith.constant 8.000000e+00 : f32
        %mul3A_391 = vector.broadcast %mul3A_390 : f32 to vector<16xf32>
        %mul3A_392 = arith.mulf %get3A_389, %mul3A_391 : vector<16xf32>
        %add3A_393 = arith.addf %mul3A_392, %get3A_164 : vector<16xf32>
        %get3A_394 = arith.index_cast %add3A_379 : i32 to index
        %get3A_395 = arith.constant 32 : index
        %get3A_396 = tpu.vector_load %arg8[%get3A_394, %get3A_395] {strides = array<i32>} : memref<128x64xf32, #tpu.memory_space<vmem>>, vector<16xf32>,
        %mul3A_397 = arith.constant 8.000000e+00 : f32
        %mul3A_398 = vector.broadcast %mul3A_397 : f32 to vector<16xf32>
        %mul3A_399 = arith.mulf %get3A_396, %mul3A_398 : vector<16xf32>
        %add3A_400 = arith.addf %mul3A_399, %get3A_167 : vector<16xf32>
        %get3A_401 = arith.index_cast %add3A_379 : i32 to index
        %get3A_402 = arith.constant 48 : index
        %get3A_403 = tpu.vector_load %arg8[%get3A_401, %get3A_402] {strides = array<i32>} : memref<128x64xf32, #tpu.memory_space<vmem>>, vector<16xf32>,
        %mul3A_404 = arith.constant 8.000000e+00 : f32
        %mul3A_405 = vector.broadcast %mul3A_404 : f32 to vector<16xf32>
        %mul3A_406 = arith.mulf %get3A_403, %mul3A_405 : vector<16xf32>
        %add3A_407 = arith.addf %mul3A_406, %get3A_170 : vector<16xf32>
        %add3A_408 = arith.constant 1 : i32
        %add3A_409 = arith.addi %mul3A_377, %add3A_408 : i32
        %broadcast_in_dim3A_410 = vector.broadcast %add3A_409 : i32 to vector<16xi32>
        %get3A_411 = arith.index_cast %add3A_409 : i32 to index
        %get3A_412 = arith.constant 0 : index
        %get3A_413 = tpu.vector_load %arg8[%get3A_411, %get3A_412] {strides = array<i32>} : memref<128x64xf32, #tpu.memory_space<vmem>>, vector<16xf32>,
        %mul3A_414 = arith.constant 8.000000e+00 : f32
        %mul3A_415 = vector.broadcast %mul3A_414 : f32 to vector<16xf32>
        %mul3A_416 = arith.mulf %get3A_413, %mul3A_415 : vector<16xf32>
        %add3A_417 = arith.addf %mul3A_416, %get3A_161 : vector<16xf32>
        %get3A_418 = arith.index_cast %add3A_409 : i32 to index
        %get3A_419 = arith.constant 16 : index
        %get3A_420 = tpu.vector_load %arg8[%get3A_418, %get3A_419] {strides = array<i32>} : memref<128x64xf32, #tpu.memory_space<vmem>>, vector<16xf32>,
        %mul3A_421 = arith.constant 8.000000e+00 : f32
        %mul3A_422 = vector.broadcast %mul3A_421 : f32 to vector<16xf32>
        %mul3A_423 = arith.mulf %get3A_420, %mul3A_422 : vector<16xf32>
        %add3A_424 = arith.addf %mul3A_423, %get3A_164 : vector<16xf32>
        %get3A_425 = arith.index_cast %add3A_409 : i32 to index
        %get3A_426 = arith.constant 32 : index
        %get3A_427 = tpu.vector_load %arg8[%get3A_425, %get3A_426] {strides = array<i32>} : memref<128x64xf32, #tpu.memory_space<vmem>>, vector<16xf32>,
        %mul3A_428 = arith.constant 8.000000e+00 : f32
        %mul3A_429 = vector.broadcast %mul3A_428 : f32 to vector<16xf32>
        %mul3A_430 = arith.mulf %get3A_427, %mul3A_429 : vector<16xf32>
        %add3A_431 = arith.addf %mul3A_430, %get3A_167 : vector<16xf32>
        %get3A_432 = arith.index_cast %add3A_409 : i32 to index
        %get3A_433 = arith.constant 48 : index
        %get3A_434 = tpu.vector_load %arg8[%get3A_432, %get3A_433] {strides = array<i32>} : memref<128x64xf32, #tpu.memory_space<vmem>>, vector<16xf32>,
        %mul3A_435 = arith.constant 8.000000e+00 : f32
        %mul3A_436 = vector.broadcast %mul3A_435 : f32 to vector<16xf32>
        %mul3A_437 = arith.mulf %get3A_434, %mul3A_436 : vector<16xf32>
        %add3A_438 = arith.addf %mul3A_437, %get3A_170 : vector<16xf32>
        tpu.vector_store_idx %arg12[%shift_right_arithmetic3A_19, %and3A_30, %broadcast_in_dim3A], %add3A_386 : memref<8x8x137xf32, #tpu.memory_space<vmem>>[vector<16xi32>, vector<16xi32>, vector<16xi32>], vector<16xf32>,
        tpu.vector_store_idx %arg12[%shift_right_arithmetic3A_22, %and3A_33, %broadcast_in_dim3A], %add3A_393 : memref<8x8x137xf32, #tpu.memory_space<vmem>>[vector<16xi32>, vector<16xi32>, vector<16xi32>], vector<16xf32>,
        tpu.vector_store_idx %arg12[%shift_right_arithmetic3A_25, %and3A_36, %broadcast_in_dim3A], %add3A_400 : memref<8x8x137xf32, #tpu.memory_space<vmem>>[vector<16xi32>, vector<16xi32>, vector<16xi32>], vector<16xf32>,
        tpu.vector_store_idx %arg12[%shift_right_arithmetic3A_28, %and3A_39, %broadcast_in_dim3A], %add3A_407 : memref<8x8x137xf32, #tpu.memory_space<vmem>>[vector<16xi32>, vector<16xi32>, vector<16xi32>], vector<16xf32>,
        tpu.vector_store_idx %arg12[%shift_right_arithmetic3A_19, %and3A_30, %broadcast_in_dim3A_410], %add3A_417 : memref<8x8x137xf32, #tpu.memory_space<vmem>>[vector<16xi32>, vector<16xi32>, vector<16xi32>], vector<16xf32>,
        tpu.vector_store_idx %arg12[%shift_right_arithmetic3A_22, %and3A_33, %broadcast_in_dim3A_410], %add3A_424 : memref<8x8x137xf32, #tpu.memory_space<vmem>>[vector<16xi32>, vector<16xi32>, vector<16xi32>], vector<16xf32>,
        tpu.vector_store_idx %arg12[%shift_right_arithmetic3A_25, %and3A_36, %broadcast_in_dim3A_410], %add3A_431 : memref<8x8x137xf32, #tpu.memory_space<vmem>>[vector<16xi32>, vector<16xi32>, vector<16xi32>], vector<16xf32>,
        tpu.vector_store_idx %arg12[%shift_right_arithmetic3A_28, %and3A_39, %broadcast_in_dim3A_410], %add3A_438 : memref<8x8x137xf32, #tpu.memory_space<vmem>>[vector<16xi32>, vector<16xi32>, vector<16xi32>], vector<16xf32>,
      }
      %scan3A_176 = arith.constant 64 : i32
      %add3A_177 = arith.constant 4 : i32
      %add3A_178 = arith.addi %add3A_151, %add3A_177 : i32
      %lt3A = arith.constant 200 : i32
      %lt3A_179 = arith.cmpi slt, %add3A_178, %lt3A : i32
      %convert_element_type3A_180 = arith.extui %lt3A_179 : i1 to i32
      %cond3A_181 = arith.constant 0 : i32
      %cond3A_182 = arith.cmpi ne, %convert_element_type3A_180, %cond3A_181 : i32
      scf.if %cond3A_182 {
        %add3A_375 = arith.constant 4 : i32
        %add3A_376 = arith.addi %add3A_151, %add3A_375 : i32
        %dma_start3A_377 = arith.constant 0 : i32
        %dma_start3A_378 = tpu.memref_slice %arg6[%add3A_376, %dma_start3A_377] : memref<200x128xi32, #tpu.memory_space<vmem>> -> memref<1x128xi32, #tpu.memory_space<vmem>>
        %dma_start3A_379 = tpu.memref_squeeze %dma_start3A_378 : memref<1x128xi32, #tpu.memory_space<vmem>> -> memref<128xi32, #tpu.memory_space<vmem>>
        %dma_start3A_380 = arith.constant 0 : i32
        %dma_start3A_381 = arith.constant 0 : i32
        %dma_start3A_382 = tpu.memref_slice %arg3[%dma_start3A_380, %dma_start3A_381] : memref<1000000x64xf32, #tpu.memory_space<hbm>> -> memref<1000000x64xf32, #tpu.memory_space<hbm>>
        tpu.enqueue_indirect_dma source(%dma_start3A_382 : memref<1000000x64xf32, #tpu.memory_space<hbm>>) target(%arg8 : memref<128x64xf32, #tpu.memory_space<vmem>>) offsets(%dma_start3A_379 : memref<128xi32, #tpu.memory_space<vmem>>) semaphore(%arg16 : memref<!tpu.dma_semaphore, #tpu.memory_space<semaphore_mem>>)
      } else {
      }
      %dma_start3A_183 = arith.constant 0 : i32
      %dma_start3A_184 = arith.constant 0 : i32
      %dma_start3A_185 = arith.constant 0 : i32
      %dma_start3A_186 = tpu.memref_slice %arg12[%dma_start3A_183, %dma_start3A_184, %dma_start3A_185] : memref<8x8x137xf32, #tpu.memory_space<vmem>> -> memref<8x8x128xf32, #tpu.memory_space<vmem>>
      %dma_start3A_187 = arith.constant 0 : i32
      %dma_start3A_188 = arith.constant 0 : i32
      %dma_start3A_189 = arith.constant 0 : i32
      %dma_start3A_190 = tpu.memref_slice %arg5[%add3A_151, %dma_start3A_187, %add3A, %dma_start3A_188, %dma_start3A_189] : memref<200x8x32x8x128xf32, #tpu.memory_space<hbm>> -> memref<1x8x1x8x128xf32, #tpu.memory_space<hbm>>
      %dma_start3A_191 = tpu.memref_squeeze %dma_start3A_190 : memref<1x8x1x8x128xf32, #tpu.memory_space<hbm>> -> memref<8x8x128xf32, #tpu.memory_space<hbm>>
      %dma_start3A_192 = arith.constant 0 : i32
      %dma_start3A_193 = arith.constant 0 : i32
      %dma_start3A_194 = arith.constant 0 : i32
      %dma_start3A_195 = tpu.memref_slice %arg5[%add3A_151, %dma_start3A_192, %add3A, %dma_start3A_193, %dma_start3A_194] : memref<200x8x32x8x128xf32, #tpu.memory_space<hbm>> -> memref<1x8x1x8x128xf32, #tpu.memory_space<hbm>>
      %dma_start3A_196 = tpu.memref_squeeze %dma_start3A_195 : memref<1x8x1x8x128xf32, #tpu.memory_space<hbm>> -> memref<8x8x128xf32, #tpu.memory_space<hbm>>
      %dma_start3A_197 = arith.constant 0 : i32
      %dma_start3A_198 = arith.constant 0 : i32
      %dma_start3A_199 = arith.constant 0 : i32
      %dma_start3A_200 = tpu.memref_slice %arg12[%dma_start3A_197, %dma_start3A_198, %dma_start3A_199] : memref<8x8x137xf32, #tpu.memory_space<vmem>> -> memref<8x8x128xf32, #tpu.memory_space<vmem>>
      tpu.enqueue_dma source(%dma_start3A_200 : memref<8x8x128xf32, #tpu.memory_space<vmem>>) target(%dma_start3A_196 : memref<8x8x128xf32, #tpu.memory_space<hbm>>) target_semaphore(%arg20 : memref<!tpu.dma_semaphore, #tpu.memory_space<semaphore_mem>>)
      %mul3A_201 = arith.constant 4 : i32
      %mul3A_202 = arith.muli %scan3A_147, %mul3A_201 : i32
      %add3A_203 = arith.constant 1 : i32
      %add3A_204 = arith.addi %mul3A_202, %add3A_203 : i32
      %dma_wait3A_205 = arith.constant 0 : i32
      %dma_wait3A_206 = tpu.memref_slice %arg6[%add3A_204, %dma_wait3A_205] : memref<200x128xi32, #tpu.memory_space<vmem>> -> memref<1x128xi32, #tpu.memory_space<vmem>>
      %dma_wait3A_207 = tpu.memref_squeeze %dma_wait3A_206 : memref<1x128xi32, #tpu.memory_space<vmem>> -> memref<128xi32, #tpu.memory_space<vmem>>
      %dma_wait3A_208 = arith.constant 0 : i32
      %dma_wait3A_209 = arith.constant 0 : i32
      %dma_wait3A_210 = tpu.memref_slice %arg3[%dma_wait3A_208, %dma_wait3A_209] : memref<1000000x64xf32, #tpu.memory_space<hbm>> -> memref<1000000x64xf32, #tpu.memory_space<hbm>>
      tpu.wait_indirect_dma semaphore(%arg17 : memref<!tpu.dma_semaphore, #tpu.memory_space<semaphore_mem>>) src(%dma_wait3A_210 : memref<1000000x64xf32, #tpu.memory_space<hbm>>) dst(%arg9 : memref<128x64xf32, #tpu.memory_space<vmem>>)
      %ge3A_211 = arith.constant 4 : i32
      %ge3A_212 = arith.cmpi sge, %add3A_204, %ge3A_211 : i32
      %convert_element_type3A_213 = arith.extui %ge3A_212 : i1 to i32
      %cond3A_214 = arith.constant 0 : i32
      %cond3A_215 = arith.cmpi ne, %convert_element_type3A_213, %cond3A_214 : i32
      scf.if %cond3A_215 {
        %sub3A = arith.constant 4 : i32
        %sub3A_375 = arith.subi %add3A_204, %sub3A : i32
        %dma_wait3A_376 = arith.constant 0 : i32
        %dma_wait3A_377 = arith.constant 0 : i32
        %dma_wait3A_378 = arith.constant 0 : i32
        %dma_wait3A_379 = tpu.memref_slice %arg13[%dma_wait3A_376, %dma_wait3A_377, %dma_wait3A_378] : memref<8x8x137xf32, #tpu.memory_space<vmem>> -> memref<8x8x128xf32, #tpu.memory_space<vmem>>
        %dma_wait3A_380 = arith.constant 0 : i32
        %dma_wait3A_381 = arith.constant 0 : i32
        %dma_wait3A_382 = arith.constant 0 : i32
        %dma_wait3A_383 = tpu.memref_slice %arg5[%sub3A_375, %dma_wait3A_380, %add3A, %dma_wait3A_381, %dma_wait3A_382] : memref<200x8x32x8x128xf32, #tpu.memory_space<hbm>> -> memref<1x8x1x8x128xf32, #tpu.memory_space<hbm>>
        %dma_wait3A_384 = tpu.memref_squeeze %dma_wait3A_383 : memref<1x8x1x8x128xf32, #tpu.memory_space<hbm>> -> memref<8x8x128xf32, #tpu.memory_space<hbm>>
        %dma_wait3A_385 = arith.constant 0 : i32
        %dma_wait3A_386 = arith.constant 0 : i32
        %dma_wait3A_387 = arith.constant 0 : i32
        %dma_wait3A_388 = tpu.memref_slice %arg5[%sub3A_375, %dma_wait3A_385, %add3A, %dma_wait3A_386, %dma_wait3A_387] : memref<200x8x32x8x128xf32, #tpu.memory_space<hbm>> -> memref<1x8x1x8x128xf32, #tpu.memory_space<hbm>>
        %dma_wait3A_389 = tpu.memref_squeeze %dma_wait3A_388 : memref<1x8x1x8x128xf32, #tpu.memory_space<hbm>> -> memref<8x8x128xf32, #tpu.memory_space<hbm>>
        %dma_wait3A_390 = arith.constant 0 : i32
        %dma_wait3A_391 = arith.constant 0 : i32
        %dma_wait3A_392 = arith.constant 0 : i32
        %dma_wait3A_393 = tpu.memref_slice %arg13[%dma_wait3A_390, %dma_wait3A_391, %dma_wait3A_392] : memref<8x8x137xf32, #tpu.memory_space<vmem>> -> memref<8x8x128xf32, #tpu.memory_space<vmem>>
        tpu.wait_dma2 semaphore(%arg21 : memref<!tpu.dma_semaphore, #tpu.memory_space<semaphore_mem>>) src(%dma_wait3A_393 : memref<8x8x128xf32, #tpu.memory_space<vmem>>) dst(%dma_wait3A_389 : memref<8x8x128xf32, #tpu.memory_space<hbm>>)
      } else {
      }
      %get3A_216 = arith.index_cast %add3A_204 : i32 to index
      %get3A_217 = arith.constant 0 : index
      %get3A_218 = tpu.vector_load %arg7[%get3A_216, %get3A_217] {strides = array<i32>} : memref<200x64xf32, #tpu.memory_space<vmem>>, vector<16xf32>,
      %get3A_219 = arith.index_cast %add3A_204 : i32 to index
      %get3A_220 = arith.constant 16 : index
      %get3A_221 = tpu.vector_load %arg7[%get3A_219, %get3A_220] {strides = array<i32>} : memref<200x64xf32, #tpu.memory_space<vmem>>, vector<16xf32>,
      %get3A_222 = arith.index_cast %add3A_204 : i32 to index
      %get3A_223 = arith.constant 32 : index
      %get3A_224 = tpu.vector_load %arg7[%get3A_222, %get3A_223] {strides = array<i32>} : memref<200x64xf32, #tpu.memory_space<vmem>>, vector<16xf32>,
      %get3A_225 = arith.index_cast %add3A_204 : i32 to index
      %get3A_226 = arith.constant 48 : index
      %get3A_227 = tpu.vector_load %arg7[%get3A_225, %get3A_226] {strides = array<i32>} : memref<200x64xf32, #tpu.memory_space<vmem>>, vector<16xf32>,
      %scan3A_228 = arith.constant 0 : i32
      %scan3A_229 = arith.constant 0 : i32
      %scan3A_230 = arith.constant 64 : i32
      %scan3A_231 = arith.addi %scan3A_229, %scan3A_230 : i32
      %scan3A_232 = arith.constant 1 : i32
      scf.for %scan3A_375 = %scan3A_229 to %scan3A_231 step %scan3A_232  : i32 {
        %mul3A_376 = arith.constant 2 : i32
        %mul3A_377 = arith.muli %scan3A_375, %mul3A_376 : i32
        %add3A_378 = arith.constant 0 : i32
        %add3A_379 = arith.addi %mul3A_377, %add3A_378 : i32
        %broadcast_in_dim3A = vector.broadcast %add3A_379 : i32 to vector<16xi32>
        %get3A_380 = arith.index_cast %add3A_379 : i32 to index
        %get3A_381 = arith.constant 0 : index
        %get3A_382 = tpu.vector_load %arg9[%get3A_380, %get3A_381] {strides = array<i32>} : memref<128x64xf32, #tpu.memory_space<vmem>>, vector<16xf32>,
        %mul3A_383 = arith.constant 8.000000e+00 : f32
        %mul3A_384 = vector.broadcast %mul3A_383 : f32 to vector<16xf32>
        %mul3A_385 = arith.mulf %get3A_382, %mul3A_384 : vector<16xf32>
        %add3A_386 = arith.addf %mul3A_385, %get3A_218 : vector<16xf32>
        %get3A_387 = arith.index_cast %add3A_379 : i32 to index
        %get3A_388 = arith.constant 16 : index
        %get3A_389 = tpu.vector_load %arg9[%get3A_387, %get3A_388] {strides = array<i32>} : memref<128x64xf32, #tpu.memory_space<vmem>>, vector<16xf32>,
        %mul3A_390 = arith.constant 8.000000e+00 : f32
        %mul3A_391 = vector.broadcast %mul3A_390 : f32 to vector<16xf32>
        %mul3A_392 = arith.mulf %get3A_389, %mul3A_391 : vector<16xf32>
        %add3A_393 = arith.addf %mul3A_392, %get3A_221 : vector<16xf32>
        %get3A_394 = arith.index_cast %add3A_379 : i32 to index
        %get3A_395 = arith.constant 32 : index
        %get3A_396 = tpu.vector_load %arg9[%get3A_394, %get3A_395] {strides = array<i32>} : memref<128x64xf32, #tpu.memory_space<vmem>>, vector<16xf32>,
        %mul3A_397 = arith.constant 8.000000e+00 : f32
        %mul3A_398 = vector.broadcast %mul3A_397 : f32 to vector<16xf32>
        %mul3A_399 = arith.mulf %get3A_396, %mul3A_398 : vector<16xf32>
        %add3A_400 = arith.addf %mul3A_399, %get3A_224 : vector<16xf32>
        %get3A_401 = arith.index_cast %add3A_379 : i32 to index
        %get3A_402 = arith.constant 48 : index
        %get3A_403 = tpu.vector_load %arg9[%get3A_401, %get3A_402] {strides = array<i32>} : memref<128x64xf32, #tpu.memory_space<vmem>>, vector<16xf32>,
        %mul3A_404 = arith.constant 8.000000e+00 : f32
        %mul3A_405 = vector.broadcast %mul3A_404 : f32 to vector<16xf32>
        %mul3A_406 = arith.mulf %get3A_403, %mul3A_405 : vector<16xf32>
        %add3A_407 = arith.addf %mul3A_406, %get3A_227 : vector<16xf32>
        %add3A_408 = arith.constant 1 : i32
        %add3A_409 = arith.addi %mul3A_377, %add3A_408 : i32
        %broadcast_in_dim3A_410 = vector.broadcast %add3A_409 : i32 to vector<16xi32>
        %get3A_411 = arith.index_cast %add3A_409 : i32 to index
        %get3A_412 = arith.constant 0 : index
        %get3A_413 = tpu.vector_load %arg9[%get3A_411, %get3A_412] {strides = array<i32>} : memref<128x64xf32, #tpu.memory_space<vmem>>, vector<16xf32>,
        %mul3A_414 = arith.constant 8.000000e+00 : f32
        %mul3A_415 = vector.broadcast %mul3A_414 : f32 to vector<16xf32>
        %mul3A_416 = arith.mulf %get3A_413, %mul3A_415 : vector<16xf32>
        %add3A_417 = arith.addf %mul3A_416, %get3A_218 : vector<16xf32>
        %get3A_418 = arith.index_cast %add3A_409 : i32 to index
        %get3A_419 = arith.constant 16 : index
        %get3A_420 = tpu.vector_load %arg9[%get3A_418, %get3A_419] {strides = array<i32>} : memref<128x64xf32, #tpu.memory_space<vmem>>, vector<16xf32>,
        %mul3A_421 = arith.constant 8.000000e+00 : f32
        %mul3A_422 = vector.broadcast %mul3A_421 : f32 to vector<16xf32>
        %mul3A_423 = arith.mulf %get3A_420, %mul3A_422 : vector<16xf32>
        %add3A_424 = arith.addf %mul3A_423, %get3A_221 : vector<16xf32>
        %get3A_425 = arith.index_cast %add3A_409 : i32 to index
        %get3A_426 = arith.constant 32 : index
        %get3A_427 = tpu.vector_load %arg9[%get3A_425, %get3A_426] {strides = array<i32>} : memref<128x64xf32, #tpu.memory_space<vmem>>, vector<16xf32>,
        %mul3A_428 = arith.constant 8.000000e+00 : f32
        %mul3A_429 = vector.broadcast %mul3A_428 : f32 to vector<16xf32>
        %mul3A_430 = arith.mulf %get3A_427, %mul3A_429 : vector<16xf32>
        %add3A_431 = arith.addf %mul3A_430, %get3A_224 : vector<16xf32>
        %get3A_432 = arith.index_cast %add3A_409 : i32 to index
        %get3A_433 = arith.constant 48 : index
        %get3A_434 = tpu.vector_load %arg9[%get3A_432, %get3A_433] {strides = array<i32>} : memref<128x64xf32, #tpu.memory_space<vmem>>, vector<16xf32>,
        %mul3A_435 = arith.constant 8.000000e+00 : f32
        %mul3A_436 = vector.broadcast %mul3A_435 : f32 to vector<16xf32>
        %mul3A_437 = arith.mulf %get3A_434, %mul3A_436 : vector<16xf32>
        %add3A_438 = arith.addf %mul3A_437, %get3A_227 : vector<16xf32>
        tpu.vector_store_idx %arg13[%shift_right_arithmetic3A_19, %and3A_30, %broadcast_in_dim3A], %add3A_386 : memref<8x8x137xf32, #tpu.memory_space<vmem>>[vector<16xi32>, vector<16xi32>, vector<16xi32>], vector<16xf32>,
        tpu.vector_store_idx %arg13[%shift_right_arithmetic3A_22, %and3A_33, %broadcast_in_dim3A], %add3A_393 : memref<8x8x137xf32, #tpu.memory_space<vmem>>[vector<16xi32>, vector<16xi32>, vector<16xi32>], vector<16xf32>,
        tpu.vector_store_idx %arg13[%shift_right_arithmetic3A_25, %and3A_36, %broadcast_in_dim3A], %add3A_400 : memref<8x8x137xf32, #tpu.memory_space<vmem>>[vector<16xi32>, vector<16xi32>, vector<16xi32>], vector<16xf32>,
        tpu.vector_store_idx %arg13[%shift_right_arithmetic3A_28, %and3A_39, %broadcast_in_dim3A], %add3A_407 : memref<8x8x137xf32, #tpu.memory_space<vmem>>[vector<16xi32>, vector<16xi32>, vector<16xi32>], vector<16xf32>,
        tpu.vector_store_idx %arg13[%shift_right_arithmetic3A_19, %and3A_30, %broadcast_in_dim3A_410], %add3A_417 : memref<8x8x137xf32, #tpu.memory_space<vmem>>[vector<16xi32>, vector<16xi32>, vector<16xi32>], vector<16xf32>,
        tpu.vector_store_idx %arg13[%shift_right_arithmetic3A_22, %and3A_33, %broadcast_in_dim3A_410], %add3A_424 : memref<8x8x137xf32, #tpu.memory_space<vmem>>[vector<16xi32>, vector<16xi32>, vector<16xi32>], vector<16xf32>,
        tpu.vector_store_idx %arg13[%shift_right_arithmetic3A_25, %and3A_36, %broadcast_in_dim3A_410], %add3A_431 : memref<8x8x137xf32, #tpu.memory_space<vmem>>[vector<16xi32>, vector<16xi32>, vector<16xi32>], vector<16xf32>,
        tpu.vector_store_idx %arg13[%shift_right_arithmetic3A_28, %and3A_39, %broadcast_in_dim3A_410], %add3A_438 : memref<8x8x137xf32, #tpu.memory_space<vmem>>[vector<16xi32>, vector<16xi32>, vector<16xi32>], vector<16xf32>,
      }
      %scan3A_233 = arith.constant 64 : i32
      %add3A_234 = arith.constant 4 : i32
      %add3A_235 = arith.addi %add3A_204, %add3A_234 : i32
      %lt3A_236 = arith.constant 200 : i32
      %lt3A_237 = arith.cmpi slt, %add3A_235, %lt3A_236 : i32
      %convert_element_type3A_238 = arith.extui %lt3A_237 : i1 to i32
      %cond3A_239 = arith.constant 0 : i32
      %cond3A_240 = arith.cmpi ne, %convert_element_type3A_238, %cond3A_239 : i32
      scf.if %cond3A_240 {
        %add3A_375 = arith.constant 4 : i32
        %add3A_376 = arith.addi %add3A_204, %add3A_375 : i32
        %dma_start3A_377 = arith.constant 0 : i32
        %dma_start3A_378 = tpu.memref_slice %arg6[%add3A_376, %dma_start3A_377] : memref<200x128xi32, #tpu.memory_space<vmem>> -> memref<1x128xi32, #tpu.memory_space<vmem>>
        %dma_start3A_379 = tpu.memref_squeeze %dma_start3A_378 : memref<1x128xi32, #tpu.memory_space<vmem>> -> memref<128xi32, #tpu.memory_space<vmem>>
        %dma_start3A_380 = arith.constant 0 : i32
        %dma_start3A_381 = arith.constant 0 : i32
        %dma_start3A_382 = tpu.memref_slice %arg3[%dma_start3A_380, %dma_start3A_381] : memref<1000000x64xf32, #tpu.memory_space<hbm>> -> memref<1000000x64xf32, #tpu.memory_space<hbm>>
        tpu.enqueue_indirect_dma source(%dma_start3A_382 : memref<1000000x64xf32, #tpu.memory_space<hbm>>) target(%arg9 : memref<128x64xf32, #tpu.memory_space<vmem>>) offsets(%dma_start3A_379 : memref<128xi32, #tpu.memory_space<vmem>>) semaphore(%arg17 : memref<!tpu.dma_semaphore, #tpu.memory_space<semaphore_mem>>)
      } else {
      }
      %dma_start3A_241 = arith.constant 0 : i32
      %dma_start3A_242 = arith.constant 0 : i32
      %dma_start3A_243 = arith.constant 0 : i32
      %dma_start3A_244 = tpu.memref_slice %arg13[%dma_start3A_241, %dma_start3A_242, %dma_start3A_243] : memref<8x8x137xf32, #tpu.memory_space<vmem>> -> memref<8x8x128xf32, #tpu.memory_space<vmem>>
      %dma_start3A_245 = arith.constant 0 : i32
      %dma_start3A_246 = arith.constant 0 : i32
      %dma_start3A_247 = arith.constant 0 : i32
      %dma_start3A_248 = tpu.memref_slice %arg5[%add3A_204, %dma_start3A_245, %add3A, %dma_start3A_246, %dma_start3A_247] : memref<200x8x32x8x128xf32, #tpu.memory_space<hbm>> -> memref<1x8x1x8x128xf32, #tpu.memory_space<hbm>>
      %dma_start3A_249 = tpu.memref_squeeze %dma_start3A_248 : memref<1x8x1x8x128xf32, #tpu.memory_space<hbm>> -> memref<8x8x128xf32, #tpu.memory_space<hbm>>
      %dma_start3A_250 = arith.constant 0 : i32
      %dma_start3A_251 = arith.constant 0 : i32
      %dma_start3A_252 = arith.constant 0 : i32
      %dma_start3A_253 = tpu.memref_slice %arg5[%add3A_204, %dma_start3A_250, %add3A, %dma_start3A_251, %dma_start3A_252] : memref<200x8x32x8x128xf32, #tpu.memory_space<hbm>> -> memref<1x8x1x8x128xf32, #tpu.memory_space<hbm>>
      %dma_start3A_254 = tpu.memref_squeeze %dma_start3A_253 : memref<1x8x1x8x128xf32, #tpu.memory_space<hbm>> -> memref<8x8x128xf32, #tpu.memory_space<hbm>>
      %dma_start3A_255 = arith.constant 0 : i32
      %dma_start3A_256 = arith.constant 0 : i32
      %dma_start3A_257 = arith.constant 0 : i32
      %dma_start3A_258 = tpu.memref_slice %arg13[%dma_start3A_255, %dma_start3A_256, %dma_start3A_257] : memref<8x8x137xf32, #tpu.memory_space<vmem>> -> memref<8x8x128xf32, #tpu.memory_space<vmem>>
      tpu.enqueue_dma source(%dma_start3A_258 : memref<8x8x128xf32, #tpu.memory_space<vmem>>) target(%dma_start3A_254 : memref<8x8x128xf32, #tpu.memory_space<hbm>>) target_semaphore(%arg21 : memref<!tpu.dma_semaphore, #tpu.memory_space<semaphore_mem>>)
      %mul3A_259 = arith.constant 4 : i32
      %mul3A_260 = arith.muli %scan3A_147, %mul3A_259 : i32
      %add3A_261 = arith.constant 2 : i32
      %add3A_262 = arith.addi %mul3A_260, %add3A_261 : i32
      %dma_wait3A_263 = arith.constant 0 : i32
      %dma_wait3A_264 = tpu.memref_slice %arg6[%add3A_262, %dma_wait3A_263] : memref<200x128xi32, #tpu.memory_space<vmem>> -> memref<1x128xi32, #tpu.memory_space<vmem>>
      %dma_wait3A_265 = tpu.memref_squeeze %dma_wait3A_264 : memref<1x128xi32, #tpu.memory_space<vmem>> -> memref<128xi32, #tpu.memory_space<vmem>>
      %dma_wait3A_266 = arith.constant 0 : i32
      %dma_wait3A_267 = arith.constant 0 : i32
      %dma_wait3A_268 = tpu.memref_slice %arg3[%dma_wait3A_266, %dma_wait3A_267] : memref<1000000x64xf32, #tpu.memory_space<hbm>> -> memref<1000000x64xf32, #tpu.memory_space<hbm>>
      tpu.wait_indirect_dma semaphore(%arg18 : memref<!tpu.dma_semaphore, #tpu.memory_space<semaphore_mem>>) src(%dma_wait3A_268 : memref<1000000x64xf32, #tpu.memory_space<hbm>>) dst(%arg10 : memref<128x64xf32, #tpu.memory_space<vmem>>)
      %ge3A_269 = arith.constant 4 : i32
      %ge3A_270 = arith.cmpi sge, %add3A_262, %ge3A_269 : i32
      %convert_element_type3A_271 = arith.extui %ge3A_270 : i1 to i32
      %cond3A_272 = arith.constant 0 : i32
      %cond3A_273 = arith.cmpi ne, %convert_element_type3A_271, %cond3A_272 : i32
      scf.if %cond3A_273 {
        %sub3A = arith.constant 4 : i32
        %sub3A_375 = arith.subi %add3A_262, %sub3A : i32
        %dma_wait3A_376 = arith.constant 0 : i32
        %dma_wait3A_377 = arith.constant 0 : i32
        %dma_wait3A_378 = arith.constant 0 : i32
        %dma_wait3A_379 = tpu.memref_slice %arg14[%dma_wait3A_376, %dma_wait3A_377, %dma_wait3A_378] : memref<8x8x137xf32, #tpu.memory_space<vmem>> -> memref<8x8x128xf32, #tpu.memory_space<vmem>>
        %dma_wait3A_380 = arith.constant 0 : i32
        %dma_wait3A_381 = arith.constant 0 : i32
        %dma_wait3A_382 = arith.constant 0 : i32
        %dma_wait3A_383 = tpu.memref_slice %arg5[%sub3A_375, %dma_wait3A_380, %add3A, %dma_wait3A_381, %dma_wait3A_382] : memref<200x8x32x8x128xf32, #tpu.memory_space<hbm>> -> memref<1x8x1x8x128xf32, #tpu.memory_space<hbm>>
        %dma_wait3A_384 = tpu.memref_squeeze %dma_wait3A_383 : memref<1x8x1x8x128xf32, #tpu.memory_space<hbm>> -> memref<8x8x128xf32, #tpu.memory_space<hbm>>
        %dma_wait3A_385 = arith.constant 0 : i32
        %dma_wait3A_386 = arith.constant 0 : i32
        %dma_wait3A_387 = arith.constant 0 : i32
        %dma_wait3A_388 = tpu.memref_slice %arg5[%sub3A_375, %dma_wait3A_385, %add3A, %dma_wait3A_386, %dma_wait3A_387] : memref<200x8x32x8x128xf32, #tpu.memory_space<hbm>> -> memref<1x8x1x8x128xf32, #tpu.memory_space<hbm>>
        %dma_wait3A_389 = tpu.memref_squeeze %dma_wait3A_388 : memref<1x8x1x8x128xf32, #tpu.memory_space<hbm>> -> memref<8x8x128xf32, #tpu.memory_space<hbm>>
        %dma_wait3A_390 = arith.constant 0 : i32
        %dma_wait3A_391 = arith.constant 0 : i32
        %dma_wait3A_392 = arith.constant 0 : i32
        %dma_wait3A_393 = tpu.memref_slice %arg14[%dma_wait3A_390, %dma_wait3A_391, %dma_wait3A_392] : memref<8x8x137xf32, #tpu.memory_space<vmem>> -> memref<8x8x128xf32, #tpu.memory_space<vmem>>
        tpu.wait_dma2 semaphore(%arg22 : memref<!tpu.dma_semaphore, #tpu.memory_space<semaphore_mem>>) src(%dma_wait3A_393 : memref<8x8x128xf32, #tpu.memory_space<vmem>>) dst(%dma_wait3A_389 : memref<8x8x128xf32, #tpu.memory_space<hbm>>)
      } else {
      }
      %get3A_274 = arith.index_cast %add3A_262 : i32 to index
      %get3A_275 = arith.constant 0 : index
      %get3A_276 = tpu.vector_load %arg7[%get3A_274, %get3A_275] {strides = array<i32>} : memref<200x64xf32, #tpu.memory_space<vmem>>, vector<16xf32>,
      %get3A_277 = arith.index_cast %add3A_262 : i32 to index
      %get3A_278 = arith.constant 16 : index
      %get3A_279 = tpu.vector_load %arg7[%get3A_277, %get3A_278] {strides = array<i32>} : memref<200x64xf32, #tpu.memory_space<vmem>>, vector<16xf32>,
      %get3A_280 = arith.index_cast %add3A_262 : i32 to index
      %get3A_281 = arith.constant 32 : index
      %get3A_282 = tpu.vector_load %arg7[%get3A_280, %get3A_281] {strides = array<i32>} : memref<200x64xf32, #tpu.memory_space<vmem>>, vector<16xf32>,
      %get3A_283 = arith.index_cast %add3A_262 : i32 to index
      %get3A_284 = arith.constant 48 : index
      %get3A_285 = tpu.vector_load %arg7[%get3A_283, %get3A_284] {strides = array<i32>} : memref<200x64xf32, #tpu.memory_space<vmem>>, vector<16xf32>,
      %scan3A_286 = arith.constant 0 : i32
      %scan3A_287 = arith.constant 0 : i32
      %scan3A_288 = arith.constant 64 : i32
      %scan3A_289 = arith.addi %scan3A_287, %scan3A_288 : i32
      %scan3A_290 = arith.constant 1 : i32
      scf.for %scan3A_375 = %scan3A_287 to %scan3A_289 step %scan3A_290  : i32 {
        %mul3A_376 = arith.constant 2 : i32
        %mul3A_377 = arith.muli %scan3A_375, %mul3A_376 : i32
        %add3A_378 = arith.constant 0 : i32
        %add3A_379 = arith.addi %mul3A_377, %add3A_378 : i32
        %broadcast_in_dim3A = vector.broadcast %add3A_379 : i32 to vector<16xi32>
        %get3A_380 = arith.index_cast %add3A_379 : i32 to index
        %get3A_381 = arith.constant 0 : index
        %get3A_382 = tpu.vector_load %arg10[%get3A_380, %get3A_381] {strides = array<i32>} : memref<128x64xf32, #tpu.memory_space<vmem>>, vector<16xf32>,
        %mul3A_383 = arith.constant 8.000000e+00 : f32
        %mul3A_384 = vector.broadcast %mul3A_383 : f32 to vector<16xf32>
        %mul3A_385 = arith.mulf %get3A_382, %mul3A_384 : vector<16xf32>
        %add3A_386 = arith.addf %mul3A_385, %get3A_276 : vector<16xf32>
        %get3A_387 = arith.index_cast %add3A_379 : i32 to index
        %get3A_388 = arith.constant 16 : index
        %get3A_389 = tpu.vector_load %arg10[%get3A_387, %get3A_388] {strides = array<i32>} : memref<128x64xf32, #tpu.memory_space<vmem>>, vector<16xf32>,
        %mul3A_390 = arith.constant 8.000000e+00 : f32
        %mul3A_391 = vector.broadcast %mul3A_390 : f32 to vector<16xf32>
        %mul3A_392 = arith.mulf %get3A_389, %mul3A_391 : vector<16xf32>
        %add3A_393 = arith.addf %mul3A_392, %get3A_279 : vector<16xf32>
        %get3A_394 = arith.index_cast %add3A_379 : i32 to index
        %get3A_395 = arith.constant 32 : index
        %get3A_396 = tpu.vector_load %arg10[%get3A_394, %get3A_395] {strides = array<i32>} : memref<128x64xf32, #tpu.memory_space<vmem>>, vector<16xf32>,
        %mul3A_397 = arith.constant 8.000000e+00 : f32
        %mul3A_398 = vector.broadcast %mul3A_397 : f32 to vector<16xf32>
        %mul3A_399 = arith.mulf %get3A_396, %mul3A_398 : vector<16xf32>
        %add3A_400 = arith.addf %mul3A_399, %get3A_282 : vector<16xf32>
        %get3A_401 = arith.index_cast %add3A_379 : i32 to index
        %get3A_402 = arith.constant 48 : index
        %get3A_403 = tpu.vector_load %arg10[%get3A_401, %get3A_402] {strides = array<i32>} : memref<128x64xf32, #tpu.memory_space<vmem>>, vector<16xf32>,
        %mul3A_404 = arith.constant 8.000000e+00 : f32
        %mul3A_405 = vector.broadcast %mul3A_404 : f32 to vector<16xf32>
        %mul3A_406 = arith.mulf %get3A_403, %mul3A_405 : vector<16xf32>
        %add3A_407 = arith.addf %mul3A_406, %get3A_285 : vector<16xf32>
        %add3A_408 = arith.constant 1 : i32
        %add3A_409 = arith.addi %mul3A_377, %add3A_408 : i32
        %broadcast_in_dim3A_410 = vector.broadcast %add3A_409 : i32 to vector<16xi32>
        %get3A_411 = arith.index_cast %add3A_409 : i32 to index
        %get3A_412 = arith.constant 0 : index
        %get3A_413 = tpu.vector_load %arg10[%get3A_411, %get3A_412] {strides = array<i32>} : memref<128x64xf32, #tpu.memory_space<vmem>>, vector<16xf32>,
        %mul3A_414 = arith.constant 8.000000e+00 : f32
        %mul3A_415 = vector.broadcast %mul3A_414 : f32 to vector<16xf32>
        %mul3A_416 = arith.mulf %get3A_413, %mul3A_415 : vector<16xf32>
        %add3A_417 = arith.addf %mul3A_416, %get3A_276 : vector<16xf32>
        %get3A_418 = arith.index_cast %add3A_409 : i32 to index
        %get3A_419 = arith.constant 16 : index
        %get3A_420 = tpu.vector_load %arg10[%get3A_418, %get3A_419] {strides = array<i32>} : memref<128x64xf32, #tpu.memory_space<vmem>>, vector<16xf32>,
        %mul3A_421 = arith.constant 8.000000e+00 : f32
        %mul3A_422 = vector.broadcast %mul3A_421 : f32 to vector<16xf32>
        %mul3A_423 = arith.mulf %get3A_420, %mul3A_422 : vector<16xf32>
        %add3A_424 = arith.addf %mul3A_423, %get3A_279 : vector<16xf32>
        %get3A_425 = arith.index_cast %add3A_409 : i32 to index
        %get3A_426 = arith.constant 32 : index
        %get3A_427 = tpu.vector_load %arg10[%get3A_425, %get3A_426] {strides = array<i32>} : memref<128x64xf32, #tpu.memory_space<vmem>>, vector<16xf32>,
        %mul3A_428 = arith.constant 8.000000e+00 : f32
        %mul3A_429 = vector.broadcast %mul3A_428 : f32 to vector<16xf32>
        %mul3A_430 = arith.mulf %get3A_427, %mul3A_429 : vector<16xf32>
        %add3A_431 = arith.addf %mul3A_430, %get3A_282 : vector<16xf32>
        %get3A_432 = arith.index_cast %add3A_409 : i32 to index
        %get3A_433 = arith.constant 48 : index
        %get3A_434 = tpu.vector_load %arg10[%get3A_432, %get3A_433] {strides = array<i32>} : memref<128x64xf32, #tpu.memory_space<vmem>>, vector<16xf32>,
        %mul3A_435 = arith.constant 8.000000e+00 : f32
        %mul3A_436 = vector.broadcast %mul3A_435 : f32 to vector<16xf32>
        %mul3A_437 = arith.mulf %get3A_434, %mul3A_436 : vector<16xf32>
        %add3A_438 = arith.addf %mul3A_437, %get3A_285 : vector<16xf32>
        tpu.vector_store_idx %arg14[%shift_right_arithmetic3A_19, %and3A_30, %broadcast_in_dim3A], %add3A_386 : memref<8x8x137xf32, #tpu.memory_space<vmem>>[vector<16xi32>, vector<16xi32>, vector<16xi32>], vector<16xf32>,
        tpu.vector_store_idx %arg14[%shift_right_arithmetic3A_22, %and3A_33, %broadcast_in_dim3A], %add3A_393 : memref<8x8x137xf32, #tpu.memory_space<vmem>>[vector<16xi32>, vector<16xi32>, vector<16xi32>], vector<16xf32>,
        tpu.vector_store_idx %arg14[%shift_right_arithmetic3A_25, %and3A_36, %broadcast_in_dim3A], %add3A_400 : memref<8x8x137xf32, #tpu.memory_space<vmem>>[vector<16xi32>, vector<16xi32>, vector<16xi32>], vector<16xf32>,
        tpu.vector_store_idx %arg14[%shift_right_arithmetic3A_28, %and3A_39, %broadcast_in_dim3A], %add3A_407 : memref<8x8x137xf32, #tpu.memory_space<vmem>>[vector<16xi32>, vector<16xi32>, vector<16xi32>], vector<16xf32>,
        tpu.vector_store_idx %arg14[%shift_right_arithmetic3A_19, %and3A_30, %broadcast_in_dim3A_410], %add3A_417 : memref<8x8x137xf32, #tpu.memory_space<vmem>>[vector<16xi32>, vector<16xi32>, vector<16xi32>], vector<16xf32>,
        tpu.vector_store_idx %arg14[%shift_right_arithmetic3A_22, %and3A_33, %broadcast_in_dim3A_410], %add3A_424 : memref<8x8x137xf32, #tpu.memory_space<vmem>>[vector<16xi32>, vector<16xi32>, vector<16xi32>], vector<16xf32>,
        tpu.vector_store_idx %arg14[%shift_right_arithmetic3A_25, %and3A_36, %broadcast_in_dim3A_410], %add3A_431 : memref<8x8x137xf32, #tpu.memory_space<vmem>>[vector<16xi32>, vector<16xi32>, vector<16xi32>], vector<16xf32>,
        tpu.vector_store_idx %arg14[%shift_right_arithmetic3A_28, %and3A_39, %broadcast_in_dim3A_410], %add3A_438 : memref<8x8x137xf32, #tpu.memory_space<vmem>>[vector<16xi32>, vector<16xi32>, vector<16xi32>], vector<16xf32>,
      }
      %scan3A_291 = arith.constant 64 : i32
      %add3A_292 = arith.constant 4 : i32
      %add3A_293 = arith.addi %add3A_262, %add3A_292 : i32
      %lt3A_294 = arith.constant 200 : i32
      %lt3A_295 = arith.cmpi slt, %add3A_293, %lt3A_294 : i32
      %convert_element_type3A_296 = arith.extui %lt3A_295 : i1 to i32
      %cond3A_297 = arith.constant 0 : i32
      %cond3A_298 = arith.cmpi ne, %convert_element_type3A_296, %cond3A_297 : i32
      scf.if %cond3A_298 {
        %add3A_375 = arith.constant 4 : i32
        %add3A_376 = arith.addi %add3A_262, %add3A_375 : i32
        %dma_start3A_377 = arith.constant 0 : i32
        %dma_start3A_378 = tpu.memref_slice %arg6[%add3A_376, %dma_start3A_377] : memref<200x128xi32, #tpu.memory_space<vmem>> -> memref<1x128xi32, #tpu.memory_space<vmem>>
        %dma_start3A_379 = tpu.memref_squeeze %dma_start3A_378 : memref<1x128xi32, #tpu.memory_space<vmem>> -> memref<128xi32, #tpu.memory_space<vmem>>
        %dma_start3A_380 = arith.constant 0 : i32
        %dma_start3A_381 = arith.constant 0 : i32
        %dma_start3A_382 = tpu.memref_slice %arg3[%dma_start3A_380, %dma_start3A_381] : memref<1000000x64xf32, #tpu.memory_space<hbm>> -> memref<1000000x64xf32, #tpu.memory_space<hbm>>
        tpu.enqueue_indirect_dma source(%dma_start3A_382 : memref<1000000x64xf32, #tpu.memory_space<hbm>>) target(%arg10 : memref<128x64xf32, #tpu.memory_space<vmem>>) offsets(%dma_start3A_379 : memref<128xi32, #tpu.memory_space<vmem>>) semaphore(%arg18 : memref<!tpu.dma_semaphore, #tpu.memory_space<semaphore_mem>>)
      } else {
      }
      %dma_start3A_299 = arith.constant 0 : i32
      %dma_start3A_300 = arith.constant 0 : i32
      %dma_start3A_301 = arith.constant 0 : i32
      %dma_start3A_302 = tpu.memref_slice %arg14[%dma_start3A_299, %dma_start3A_300, %dma_start3A_301] : memref<8x8x137xf32, #tpu.memory_space<vmem>> -> memref<8x8x128xf32, #tpu.memory_space<vmem>>
      %dma_start3A_303 = arith.constant 0 : i32
      %dma_start3A_304 = arith.constant 0 : i32
      %dma_start3A_305 = arith.constant 0 : i32
      %dma_start3A_306 = tpu.memref_slice %arg5[%add3A_262, %dma_start3A_303, %add3A, %dma_start3A_304, %dma_start3A_305] : memref<200x8x32x8x128xf32, #tpu.memory_space<hbm>> -> memref<1x8x1x8x128xf32, #tpu.memory_space<hbm>>
      %dma_start3A_307 = tpu.memref_squeeze %dma_start3A_306 : memref<1x8x1x8x128xf32, #tpu.memory_space<hbm>> -> memref<8x8x128xf32, #tpu.memory_space<hbm>>
      %dma_start3A_308 = arith.constant 0 : i32
      %dma_start3A_309 = arith.constant 0 : i32
      %dma_start3A_310 = arith.constant 0 : i32
      %dma_start3A_311 = tpu.memref_slice %arg5[%add3A_262, %dma_start3A_308, %add3A, %dma_start3A_309, %dma_start3A_310] : memref<200x8x32x8x128xf32, #tpu.memory_space<hbm>> -> memref<1x8x1x8x128xf32, #tpu.memory_space<hbm>>
      %dma_start3A_312 = tpu.memref_squeeze %dma_start3A_311 : memref<1x8x1x8x128xf32, #tpu.memory_space<hbm>> -> memref<8x8x128xf32, #tpu.memory_space<hbm>>
      %dma_start3A_313 = arith.constant 0 : i32
      %dma_start3A_314 = arith.constant 0 : i32
      %dma_start3A_315 = arith.constant 0 : i32
      %dma_start3A_316 = tpu.memref_slice %arg14[%dma_start3A_313, %dma_start3A_314, %dma_start3A_315] : memref<8x8x137xf32, #tpu.memory_space<vmem>> -> memref<8x8x128xf32, #tpu.memory_space<vmem>>
      tpu.enqueue_dma source(%dma_start3A_316 : memref<8x8x128xf32, #tpu.memory_space<vmem>>) target(%dma_start3A_312 : memref<8x8x128xf32, #tpu.memory_space<hbm>>) target_semaphore(%arg22 : memref<!tpu.dma_semaphore, #tpu.memory_space<semaphore_mem>>)
      %mul3A_317 = arith.constant 4 : i32
      %mul3A_318 = arith.muli %scan3A_147, %mul3A_317 : i32
      %add3A_319 = arith.constant 3 : i32
      %add3A_320 = arith.addi %mul3A_318, %add3A_319 : i32
      %dma_wait3A_321 = arith.constant 0 : i32
      %dma_wait3A_322 = tpu.memref_slice %arg6[%add3A_320, %dma_wait3A_321] : memref<200x128xi32, #tpu.memory_space<vmem>> -> memref<1x128xi32, #tpu.memory_space<vmem>>
      %dma_wait3A_323 = tpu.memref_squeeze %dma_wait3A_322 : memref<1x128xi32, #tpu.memory_space<vmem>> -> memref<128xi32, #tpu.memory_space<vmem>>
      %dma_wait3A_324 = arith.constant 0 : i32
      %dma_wait3A_325 = arith.constant 0 : i32
      %dma_wait3A_326 = tpu.memref_slice %arg3[%dma_wait3A_324, %dma_wait3A_325] : memref<1000000x64xf32, #tpu.memory_space<hbm>> -> memref<1000000x64xf32, #tpu.memory_space<hbm>>
      tpu.wait_indirect_dma semaphore(%arg19 : memref<!tpu.dma_semaphore, #tpu.memory_space<semaphore_mem>>) src(%dma_wait3A_326 : memref<1000000x64xf32, #tpu.memory_space<hbm>>) dst(%arg11 : memref<128x64xf32, #tpu.memory_space<vmem>>)
      %ge3A_327 = arith.constant 4 : i32
      %ge3A_328 = arith.cmpi sge, %add3A_320, %ge3A_327 : i32
      %convert_element_type3A_329 = arith.extui %ge3A_328 : i1 to i32
      %cond3A_330 = arith.constant 0 : i32
      %cond3A_331 = arith.cmpi ne, %convert_element_type3A_329, %cond3A_330 : i32
      scf.if %cond3A_331 {
        %sub3A = arith.constant 4 : i32
        %sub3A_375 = arith.subi %add3A_320, %sub3A : i32
        %dma_wait3A_376 = arith.constant 0 : i32
        %dma_wait3A_377 = arith.constant 0 : i32
        %dma_wait3A_378 = arith.constant 0 : i32
        %dma_wait3A_379 = tpu.memref_slice %arg15[%dma_wait3A_376, %dma_wait3A_377, %dma_wait3A_378] : memref<8x8x137xf32, #tpu.memory_space<vmem>> -> memref<8x8x128xf32, #tpu.memory_space<vmem>>
        %dma_wait3A_380 = arith.constant 0 : i32
        %dma_wait3A_381 = arith.constant 0 : i32
        %dma_wait3A_382 = arith.constant 0 : i32
        %dma_wait3A_383 = tpu.memref_slice %arg5[%sub3A_375, %dma_wait3A_380, %add3A, %dma_wait3A_381, %dma_wait3A_382] : memref<200x8x32x8x128xf32, #tpu.memory_space<hbm>> -> memref<1x8x1x8x128xf32, #tpu.memory_space<hbm>>
        %dma_wait3A_384 = tpu.memref_squeeze %dma_wait3A_383 : memref<1x8x1x8x128xf32, #tpu.memory_space<hbm>> -> memref<8x8x128xf32, #tpu.memory_space<hbm>>
        %dma_wait3A_385 = arith.constant 0 : i32
        %dma_wait3A_386 = arith.constant 0 : i32
        %dma_wait3A_387 = arith.constant 0 : i32
        %dma_wait3A_388 = tpu.memref_slice %arg5[%sub3A_375, %dma_wait3A_385, %add3A, %dma_wait3A_386, %dma_wait3A_387] : memref<200x8x32x8x128xf32, #tpu.memory_space<hbm>> -> memref<1x8x1x8x128xf32, #tpu.memory_space<hbm>>
        %dma_wait3A_389 = tpu.memref_squeeze %dma_wait3A_388 : memref<1x8x1x8x128xf32, #tpu.memory_space<hbm>> -> memref<8x8x128xf32, #tpu.memory_space<hbm>>
        %dma_wait3A_390 = arith.constant 0 : i32
        %dma_wait3A_391 = arith.constant 0 : i32
        %dma_wait3A_392 = arith.constant 0 : i32
        %dma_wait3A_393 = tpu.memref_slice %arg15[%dma_wait3A_390, %dma_wait3A_391, %dma_wait3A_392] : memref<8x8x137xf32, #tpu.memory_space<vmem>> -> memref<8x8x128xf32, #tpu.memory_space<vmem>>
        tpu.wait_dma2 semaphore(%arg23 : memref<!tpu.dma_semaphore, #tpu.memory_space<semaphore_mem>>) src(%dma_wait3A_393 : memref<8x8x128xf32, #tpu.memory_space<vmem>>) dst(%dma_wait3A_389 : memref<8x8x128xf32, #tpu.memory_space<hbm>>)
      } else {
      }
      %get3A_332 = arith.index_cast %add3A_320 : i32 to index
      %get3A_333 = arith.constant 0 : index
      %get3A_334 = tpu.vector_load %arg7[%get3A_332, %get3A_333] {strides = array<i32>} : memref<200x64xf32, #tpu.memory_space<vmem>>, vector<16xf32>,
      %get3A_335 = arith.index_cast %add3A_320 : i32 to index
      %get3A_336 = arith.constant 16 : index
      %get3A_337 = tpu.vector_load %arg7[%get3A_335, %get3A_336] {strides = array<i32>} : memref<200x64xf32, #tpu.memory_space<vmem>>, vector<16xf32>,
      %get3A_338 = arith.index_cast %add3A_320 : i32 to index
      %get3A_339 = arith.constant 32 : index
      %get3A_340 = tpu.vector_load %arg7[%get3A_338, %get3A_339] {strides = array<i32>} : memref<200x64xf32, #tpu.memory_space<vmem>>, vector<16xf32>,
      %get3A_341 = arith.index_cast %add3A_320 : i32 to index
      %get3A_342 = arith.constant 48 : index
      %get3A_343 = tpu.vector_load %arg7[%get3A_341, %get3A_342] {strides = array<i32>} : memref<200x64xf32, #tpu.memory_space<vmem>>, vector<16xf32>,
      %scan3A_344 = arith.constant 0 : i32
      %scan3A_345 = arith.constant 0 : i32
      %scan3A_346 = arith.constant 64 : i32
      %scan3A_347 = arith.addi %scan3A_345, %scan3A_346 : i32
      %scan3A_348 = arith.constant 1 : i32
      scf.for %scan3A_375 = %scan3A_345 to %scan3A_347 step %scan3A_348  : i32 {
        %mul3A_376 = arith.constant 2 : i32
        %mul3A_377 = arith.muli %scan3A_375, %mul3A_376 : i32
        %add3A_378 = arith.constant 0 : i32
        %add3A_379 = arith.addi %mul3A_377, %add3A_378 : i32
        %broadcast_in_dim3A = vector.broadcast %add3A_379 : i32 to vector<16xi32>
        %get3A_380 = arith.index_cast %add3A_379 : i32 to index
        %get3A_381 = arith.constant 0 : index
        %get3A_382 = tpu.vector_load %arg11[%get3A_380, %get3A_381] {strides = array<i32>} : memref<128x64xf32, #tpu.memory_space<vmem>>, vector<16xf32>,
        %mul3A_383 = arith.constant 8.000000e+00 : f32
        %mul3A_384 = vector.broadcast %mul3A_383 : f32 to vector<16xf32>
        %mul3A_385 = arith.mulf %get3A_382, %mul3A_384 : vector<16xf32>
        %add3A_386 = arith.addf %mul3A_385, %get3A_334 : vector<16xf32>
        %get3A_387 = arith.index_cast %add3A_379 : i32 to index
        %get3A_388 = arith.constant 16 : index
        %get3A_389 = tpu.vector_load %arg11[%get3A_387, %get3A_388] {strides = array<i32>} : memref<128x64xf32, #tpu.memory_space<vmem>>, vector<16xf32>,
        %mul3A_390 = arith.constant 8.000000e+00 : f32
        %mul3A_391 = vector.broadcast %mul3A_390 : f32 to vector<16xf32>
        %mul3A_392 = arith.mulf %get3A_389, %mul3A_391 : vector<16xf32>
        %add3A_393 = arith.addf %mul3A_392, %get3A_337 : vector<16xf32>
        %get3A_394 = arith.index_cast %add3A_379 : i32 to index
        %get3A_395 = arith.constant 32 : index
        %get3A_396 = tpu.vector_load %arg11[%get3A_394, %get3A_395] {strides = array<i32>} : memref<128x64xf32, #tpu.memory_space<vmem>>, vector<16xf32>,
        %mul3A_397 = arith.constant 8.000000e+00 : f32
        %mul3A_398 = vector.broadcast %mul3A_397 : f32 to vector<16xf32>
        %mul3A_399 = arith.mulf %get3A_396, %mul3A_398 : vector<16xf32>
        %add3A_400 = arith.addf %mul3A_399, %get3A_340 : vector<16xf32>
        %get3A_401 = arith.index_cast %add3A_379 : i32 to index
        %get3A_402 = arith.constant 48 : index
        %get3A_403 = tpu.vector_load %arg11[%get3A_401, %get3A_402] {strides = array<i32>} : memref<128x64xf32, #tpu.memory_space<vmem>>, vector<16xf32>,
        %mul3A_404 = arith.constant 8.000000e+00 : f32
        %mul3A_405 = vector.broadcast %mul3A_404 : f32 to vector<16xf32>
        %mul3A_406 = arith.mulf %get3A_403, %mul3A_405 : vector<16xf32>
        %add3A_407 = arith.addf %mul3A_406, %get3A_343 : vector<16xf32>
        %add3A_408 = arith.constant 1 : i32
        %add3A_409 = arith.addi %mul3A_377, %add3A_408 : i32
        %broadcast_in_dim3A_410 = vector.broadcast %add3A_409 : i32 to vector<16xi32>
        %get3A_411 = arith.index_cast %add3A_409 : i32 to index
        %get3A_412 = arith.constant 0 : index
        %get3A_413 = tpu.vector_load %arg11[%get3A_411, %get3A_412] {strides = array<i32>} : memref<128x64xf32, #tpu.memory_space<vmem>>, vector<16xf32>,
        %mul3A_414 = arith.constant 8.000000e+00 : f32
        %mul3A_415 = vector.broadcast %mul3A_414 : f32 to vector<16xf32>
        %mul3A_416 = arith.mulf %get3A_413, %mul3A_415 : vector<16xf32>
        %add3A_417 = arith.addf %mul3A_416, %get3A_334 : vector<16xf32>
        %get3A_418 = arith.index_cast %add3A_409 : i32 to index
        %get3A_419 = arith.constant 16 : index
        %get3A_420 = tpu.vector_load %arg11[%get3A_418, %get3A_419] {strides = array<i32>} : memref<128x64xf32, #tpu.memory_space<vmem>>, vector<16xf32>,
        %mul3A_421 = arith.constant 8.000000e+00 : f32
        %mul3A_422 = vector.broadcast %mul3A_421 : f32 to vector<16xf32>
        %mul3A_423 = arith.mulf %get3A_420, %mul3A_422 : vector<16xf32>
        %add3A_424 = arith.addf %mul3A_423, %get3A_337 : vector<16xf32>
        %get3A_425 = arith.index_cast %add3A_409 : i32 to index
        %get3A_426 = arith.constant 32 : index
        %get3A_427 = tpu.vector_load %arg11[%get3A_425, %get3A_426] {strides = array<i32>} : memref<128x64xf32, #tpu.memory_space<vmem>>, vector<16xf32>,
        %mul3A_428 = arith.constant 8.000000e+00 : f32
        %mul3A_429 = vector.broadcast %mul3A_428 : f32 to vector<16xf32>
        %mul3A_430 = arith.mulf %get3A_427, %mul3A_429 : vector<16xf32>
        %add3A_431 = arith.addf %mul3A_430, %get3A_340 : vector<16xf32>
        %get3A_432 = arith.index_cast %add3A_409 : i32 to index
        %get3A_433 = arith.constant 48 : index
        %get3A_434 = tpu.vector_load %arg11[%get3A_432, %get3A_433] {strides = array<i32>} : memref<128x64xf32, #tpu.memory_space<vmem>>, vector<16xf32>,
        %mul3A_435 = arith.constant 8.000000e+00 : f32
        %mul3A_436 = vector.broadcast %mul3A_435 : f32 to vector<16xf32>
        %mul3A_437 = arith.mulf %get3A_434, %mul3A_436 : vector<16xf32>
        %add3A_438 = arith.addf %mul3A_437, %get3A_343 : vector<16xf32>
        tpu.vector_store_idx %arg15[%shift_right_arithmetic3A_19, %and3A_30, %broadcast_in_dim3A], %add3A_386 : memref<8x8x137xf32, #tpu.memory_space<vmem>>[vector<16xi32>, vector<16xi32>, vector<16xi32>], vector<16xf32>,
        tpu.vector_store_idx %arg15[%shift_right_arithmetic3A_22, %and3A_33, %broadcast_in_dim3A], %add3A_393 : memref<8x8x137xf32, #tpu.memory_space<vmem>>[vector<16xi32>, vector<16xi32>, vector<16xi32>], vector<16xf32>,
        tpu.vector_store_idx %arg15[%shift_right_arithmetic3A_25, %and3A_36, %broadcast_in_dim3A], %add3A_400 : memref<8x8x137xf32, #tpu.memory_space<vmem>>[vector<16xi32>, vector<16xi32>, vector<16xi32>], vector<16xf32>,
        tpu.vector_store_idx %arg15[%shift_right_arithmetic3A_28, %and3A_39, %broadcast_in_dim3A], %add3A_407 : memref<8x8x137xf32, #tpu.memory_space<vmem>>[vector<16xi32>, vector<16xi32>, vector<16xi32>], vector<16xf32>,
        tpu.vector_store_idx %arg15[%shift_right_arithmetic3A_19, %and3A_30, %broadcast_in_dim3A_410], %add3A_417 : memref<8x8x137xf32, #tpu.memory_space<vmem>>[vector<16xi32>, vector<16xi32>, vector<16xi32>], vector<16xf32>,
        tpu.vector_store_idx %arg15[%shift_right_arithmetic3A_22, %and3A_33, %broadcast_in_dim3A_410], %add3A_424 : memref<8x8x137xf32, #tpu.memory_space<vmem>>[vector<16xi32>, vector<16xi32>, vector<16xi32>], vector<16xf32>,
        tpu.vector_store_idx %arg15[%shift_right_arithmetic3A_25, %and3A_36, %broadcast_in_dim3A_410], %add3A_431 : memref<8x8x137xf32, #tpu.memory_space<vmem>>[vector<16xi32>, vector<16xi32>, vector<16xi32>], vector<16xf32>,
        tpu.vector_store_idx %arg15[%shift_right_arithmetic3A_28, %and3A_39, %broadcast_in_dim3A_410], %add3A_438 : memref<8x8x137xf32, #tpu.memory_space<vmem>>[vector<16xi32>, vector<16xi32>, vector<16xi32>], vector<16xf32>,
      }
      %scan3A_349 = arith.constant 64 : i32
      %add3A_350 = arith.constant 4 : i32
      %add3A_351 = arith.addi %add3A_320, %add3A_350 : i32
      %lt3A_352 = arith.constant 200 : i32
      %lt3A_353 = arith.cmpi slt, %add3A_351, %lt3A_352 : i32
      %convert_element_type3A_354 = arith.extui %lt3A_353 : i1 to i32
      %cond3A_355 = arith.constant 0 : i32
      %cond3A_356 = arith.cmpi ne, %convert_element_type3A_354, %cond3A_355 : i32
      scf.if %cond3A_356 {
        %add3A_375 = arith.constant 4 : i32
        %add3A_376 = arith.addi %add3A_320, %add3A_375 : i32
        %dma_start3A_377 = arith.constant 0 : i32
        %dma_start3A_378 = tpu.memref_slice %arg6[%add3A_376, %dma_start3A_377] : memref<200x128xi32, #tpu.memory_space<vmem>> -> memref<1x128xi32, #tpu.memory_space<vmem>>
        %dma_start3A_379 = tpu.memref_squeeze %dma_start3A_378 : memref<1x128xi32, #tpu.memory_space<vmem>> -> memref<128xi32, #tpu.memory_space<vmem>>
        %dma_start3A_380 = arith.constant 0 : i32
        %dma_start3A_381 = arith.constant 0 : i32
        %dma_start3A_382 = tpu.memref_slice %arg3[%dma_start3A_380, %dma_start3A_381] : memref<1000000x64xf32, #tpu.memory_space<hbm>> -> memref<1000000x64xf32, #tpu.memory_space<hbm>>
        tpu.enqueue_indirect_dma source(%dma_start3A_382 : memref<1000000x64xf32, #tpu.memory_space<hbm>>) target(%arg11 : memref<128x64xf32, #tpu.memory_space<vmem>>) offsets(%dma_start3A_379 : memref<128xi32, #tpu.memory_space<vmem>>) semaphore(%arg19 : memref<!tpu.dma_semaphore, #tpu.memory_space<semaphore_mem>>)
      } else {
      }
      %dma_start3A_357 = arith.constant 0 : i32
      %dma_start3A_358 = arith.constant 0 : i32
      %dma_start3A_359 = arith.constant 0 : i32
      %dma_start3A_360 = tpu.memref_slice %arg15[%dma_start3A_357, %dma_start3A_358, %dma_start3A_359] : memref<8x8x137xf32, #tpu.memory_space<vmem>> -> memref<8x8x128xf32, #tpu.memory_space<vmem>>
      %dma_start3A_361 = arith.constant 0 : i32
      %dma_start3A_362 = arith.constant 0 : i32
      %dma_start3A_363 = arith.constant 0 : i32
      %dma_start3A_364 = tpu.memref_slice %arg5[%add3A_320, %dma_start3A_361, %add3A, %dma_start3A_362, %dma_start3A_363] : memref<200x8x32x8x128xf32, #tpu.memory_space<hbm>> -> memref<1x8x1x8x128xf32, #tpu.memory_space<hbm>>
      %dma_start3A_365 = tpu.memref_squeeze %dma_start3A_364 : memref<1x8x1x8x128xf32, #tpu.memory_space<hbm>> -> memref<8x8x128xf32, #tpu.memory_space<hbm>>
      %dma_start3A_366 = arith.constant 0 : i32
      %dma_start3A_367 = arith.constant 0 : i32
      %dma_start3A_368 = arith.constant 0 : i32
      %dma_start3A_369 = tpu.memref_slice %arg5[%add3A_320, %dma_start3A_366, %add3A, %dma_start3A_367, %dma_start3A_368] : memref<200x8x32x8x128xf32, #tpu.memory_space<hbm>> -> memref<1x8x1x8x128xf32, #tpu.memory_space<hbm>>
      %dma_start3A_370 = tpu.memref_squeeze %dma_start3A_369 : memref<1x8x1x8x128xf32, #tpu.memory_space<hbm>> -> memref<8x8x128xf32, #tpu.memory_space<hbm>>
      %dma_start3A_371 = arith.constant 0 : i32
      %dma_start3A_372 = arith.constant 0 : i32
      %dma_start3A_373 = arith.constant 0 : i32
      %dma_start3A_374 = tpu.memref_slice %arg15[%dma_start3A_371, %dma_start3A_372, %dma_start3A_373] : memref<8x8x137xf32, #tpu.memory_space<vmem>> -> memref<8x8x128xf32, #tpu.memory_space<vmem>>
      tpu.enqueue_dma source(%dma_start3A_374 : memref<8x8x128xf32, #tpu.memory_space<vmem>>) target(%dma_start3A_370 : memref<8x8x128xf32, #tpu.memory_space<hbm>>) target_semaphore(%arg23 : memref<!tpu.dma_semaphore, #tpu.memory_space<semaphore_mem>>)
    }
    %scan3A_71 = arith.constant 50 : i32
    %dma_wait3A = arith.constant 196 : i32
    %dma_wait3A_72 = arith.constant 0 : i32
    %dma_wait3A_73 = arith.constant 0 : i32
    %dma_wait3A_74 = arith.constant 0 : i32
    %dma_wait3A_75 = tpu.memref_slice %arg12[%dma_wait3A_72, %dma_wait3A_73, %dma_wait3A_74] : memref<8x8x137xf32, #tpu.memory_space<vmem>> -> memref<8x8x128xf32, #tpu.memory_space<vmem>>
    %dma_wait3A_76 = arith.constant 0 : i32
    %dma_wait3A_77 = arith.constant 0 : i32
    %dma_wait3A_78 = arith.constant 0 : i32
    %dma_wait3A_79 = tpu.memref_slice %arg5[%dma_wait3A, %dma_wait3A_76, %add3A, %dma_wait3A_77, %dma_wait3A_78] : memref<200x8x32x8x128xf32, #tpu.memory_space<hbm>> -> memref<1x8x1x8x128xf32, #tpu.memory_space<hbm>>
    %dma_wait3A_80 = tpu.memref_squeeze %dma_wait3A_79 : memref<1x8x1x8x128xf32, #tpu.memory_space<hbm>> -> memref<8x8x128xf32, #tpu.memory_space<hbm>>
    %dma_wait3A_81 = arith.constant 0 : i32
    %dma_wait3A_82 = arith.constant 0 : i32
    %dma_wait3A_83 = arith.constant 0 : i32
    %dma_wait3A_84 = tpu.memref_slice %arg5[%dma_wait3A, %dma_wait3A_81, %add3A, %dma_wait3A_82, %dma_wait3A_83] : memref<200x8x32x8x128xf32, #tpu.memory_space<hbm>> -> memref<1x8x1x8x128xf32, #tpu.memory_space<hbm>>
    %dma_wait3A_85 = tpu.memref_squeeze %dma_wait3A_84 : memref<1x8x1x8x128xf32, #tpu.memory_space<hbm>> -> memref<8x8x128xf32, #tpu.memory_space<hbm>>
    %dma_wait3A_86 = arith.constant 0 : i32
    %dma_wait3A_87 = arith.constant 0 : i32
    %dma_wait3A_88 = arith.constant 0 : i32
    %dma_wait3A_89 = tpu.memref_slice %arg12[%dma_wait3A_86, %dma_wait3A_87, %dma_wait3A_88] : memref<8x8x137xf32, #tpu.memory_space<vmem>> -> memref<8x8x128xf32, #tpu.memory_space<vmem>>
    tpu.wait_dma2 semaphore(%arg20 : memref<!tpu.dma_semaphore, #tpu.memory_space<semaphore_mem>>) src(%dma_wait3A_89 : memref<8x8x128xf32, #tpu.memory_space<vmem>>) dst(%dma_wait3A_85 : memref<8x8x128xf32, #tpu.memory_space<hbm>>)
    %dma_wait3A_90 = arith.constant 197 : i32
    %dma_wait3A_91 = arith.constant 0 : i32
    %dma_wait3A_92 = arith.constant 0 : i32
    %dma_wait3A_93 = arith.constant 0 : i32
    %dma_wait3A_94 = tpu.memref_slice %arg13[%dma_wait3A_91, %dma_wait3A_92, %dma_wait3A_93] : memref<8x8x137xf32, #tpu.memory_space<vmem>> -> memref<8x8x128xf32, #tpu.memory_space<vmem>>
    %dma_wait3A_95 = arith.constant 0 : i32
    %dma_wait3A_96 = arith.constant 0 : i32
    %dma_wait3A_97 = arith.constant 0 : i32
    %dma_wait3A_98 = tpu.memref_slice %arg5[%dma_wait3A_90, %dma_wait3A_95, %add3A, %dma_wait3A_96, %dma_wait3A_97] : memref<200x8x32x8x128xf32, #tpu.memory_space<hbm>> -> memref<1x8x1x8x128xf32, #tpu.memory_space<hbm>>
    %dma_wait3A_99 = tpu.memref_squeeze %dma_wait3A_98 : memref<1x8x1x8x128xf32, #tpu.memory_space<hbm>> -> memref<8x8x128xf32, #tpu.memory_space<hbm>>
    %dma_wait3A_100 = arith.constant 0 : i32
    %dma_wait3A_101 = arith.constant 0 : i32
    %dma_wait3A_102 = arith.constant 0 : i32
    %dma_wait3A_103 = tpu.memref_slice %arg5[%dma_wait3A_90, %dma_wait3A_100, %add3A, %dma_wait3A_101, %dma_wait3A_102] : memref<200x8x32x8x128xf32, #tpu.memory_space<hbm>> -> memref<1x8x1x8x128xf32, #tpu.memory_space<hbm>>
    %dma_wait3A_104 = tpu.memref_squeeze %dma_wait3A_103 : memref<1x8x1x8x128xf32, #tpu.memory_space<hbm>> -> memref<8x8x128xf32, #tpu.memory_space<hbm>>
    %dma_wait3A_105 = arith.constant 0 : i32
    %dma_wait3A_106 = arith.constant 0 : i32
    %dma_wait3A_107 = arith.constant 0 : i32
    %dma_wait3A_108 = tpu.memref_slice %arg13[%dma_wait3A_105, %dma_wait3A_106, %dma_wait3A_107] : memref<8x8x137xf32, #tpu.memory_space<vmem>> -> memref<8x8x128xf32, #tpu.memory_space<vmem>>
    tpu.wait_dma2 semaphore(%arg21 : memref<!tpu.dma_semaphore, #tpu.memory_space<semaphore_mem>>) src(%dma_wait3A_108 : memref<8x8x128xf32, #tpu.memory_space<vmem>>) dst(%dma_wait3A_104 : memref<8x8x128xf32, #tpu.memory_space<hbm>>)
    %dma_wait3A_109 = arith.constant 198 : i32
    %dma_wait3A_110 = arith.constant 0 : i32
    %dma_wait3A_111 = arith.constant 0 : i32
    %dma_wait3A_112 = arith.constant 0 : i32
    %dma_wait3A_113 = tpu.memref_slice %arg14[%dma_wait3A_110, %dma_wait3A_111, %dma_wait3A_112] : memref<8x8x137xf32, #tpu.memory_space<vmem>> -> memref<8x8x128xf32, #tpu.memory_space<vmem>>
    %dma_wait3A_114 = arith.constant 0 : i32
    %dma_wait3A_115 = arith.constant 0 : i32
    %dma_wait3A_116 = arith.constant 0 : i32
    %dma_wait3A_117 = tpu.memref_slice %arg5[%dma_wait3A_109, %dma_wait3A_114, %add3A, %dma_wait3A_115, %dma_wait3A_116] : memref<200x8x32x8x128xf32, #tpu.memory_space<hbm>> -> memref<1x8x1x8x128xf32, #tpu.memory_space<hbm>>
    %dma_wait3A_118 = tpu.memref_squeeze %dma_wait3A_117 : memref<1x8x1x8x128xf32, #tpu.memory_space<hbm>> -> memref<8x8x128xf32, #tpu.memory_space<hbm>>
    %dma_wait3A_119 = arith.constant 0 : i32
    %dma_wait3A_120 = arith.constant 0 : i32
    %dma_wait3A_121 = arith.constant 0 : i32
    %dma_wait3A_122 = tpu.memref_slice %arg5[%dma_wait3A_109, %dma_wait3A_119, %add3A, %dma_wait3A_120, %dma_wait3A_121] : memref<200x8x32x8x128xf32, #tpu.memory_space<hbm>> -> memref<1x8x1x8x128xf32, #tpu.memory_space<hbm>>
    %dma_wait3A_123 = tpu.memref_squeeze %dma_wait3A_122 : memref<1x8x1x8x128xf32, #tpu.memory_space<hbm>> -> memref<8x8x128xf32, #tpu.memory_space<hbm>>
    %dma_wait3A_124 = arith.constant 0 : i32
    %dma_wait3A_125 = arith.constant 0 : i32
    %dma_wait3A_126 = arith.constant 0 : i32
    %dma_wait3A_127 = tpu.memref_slice %arg14[%dma_wait3A_124, %dma_wait3A_125, %dma_wait3A_126] : memref<8x8x137xf32, #tpu.memory_space<vmem>> -> memref<8x8x128xf32, #tpu.memory_space<vmem>>
    tpu.wait_dma2 semaphore(%arg22 : memref<!tpu.dma_semaphore, #tpu.memory_space<semaphore_mem>>) src(%dma_wait3A_127 : memref<8x8x128xf32, #tpu.memory_space<vmem>>) dst(%dma_wait3A_123 : memref<8x8x128xf32, #tpu.memory_space<hbm>>)
    %dma_wait3A_128 = arith.constant 199 : i32
    %dma_wait3A_129 = arith.constant 0 : i32
    %dma_wait3A_130 = arith.constant 0 : i32
    %dma_wait3A_131 = arith.constant 0 : i32
    %dma_wait3A_132 = tpu.memref_slice %arg15[%dma_wait3A_129, %dma_wait3A_130, %dma_wait3A_131] : memref<8x8x137xf32, #tpu.memory_space<vmem>> -> memref<8x8x128xf32, #tpu.memory_space<vmem>>
    %dma_wait3A_133 = arith.constant 0 : i32
    %dma_wait3A_134 = arith.constant 0 : i32
    %dma_wait3A_135 = arith.constant 0 : i32
    %dma_wait3A_136 = tpu.memref_slice %arg5[%dma_wait3A_128, %dma_wait3A_133, %add3A, %dma_wait3A_134, %dma_wait3A_135] : memref<200x8x32x8x128xf32, #tpu.memory_space<hbm>> -> memref<1x8x1x8x128xf32, #tpu.memory_space<hbm>>
    %dma_wait3A_137 = tpu.memref_squeeze %dma_wait3A_136 : memref<1x8x1x8x128xf32, #tpu.memory_space<hbm>> -> memref<8x8x128xf32, #tpu.memory_space<hbm>>
    %dma_wait3A_138 = arith.constant 0 : i32
    %dma_wait3A_139 = arith.constant 0 : i32
    %dma_wait3A_140 = arith.constant 0 : i32
    %dma_wait3A_141 = tpu.memref_slice %arg5[%dma_wait3A_128, %dma_wait3A_138, %add3A, %dma_wait3A_139, %dma_wait3A_140] : memref<200x8x32x8x128xf32, #tpu.memory_space<hbm>> -> memref<1x8x1x8x128xf32, #tpu.memory_space<hbm>>
    %dma_wait3A_142 = tpu.memref_squeeze %dma_wait3A_141 : memref<1x8x1x8x128xf32, #tpu.memory_space<hbm>> -> memref<8x8x128xf32, #tpu.memory_space<hbm>>
    %dma_wait3A_143 = arith.constant 0 : i32
    %dma_wait3A_144 = arith.constant 0 : i32
    %dma_wait3A_145 = arith.constant 0 : i32
    %dma_wait3A_146 = tpu.memref_slice %arg15[%dma_wait3A_143, %dma_wait3A_144, %dma_wait3A_145] : memref<8x8x137xf32, #tpu.memory_space<vmem>> -> memref<8x8x128xf32, #tpu.memory_space<vmem>>
    tpu.wait_dma2 semaphore(%arg23 : memref<!tpu.dma_semaphore, #tpu.memory_space<semaphore_mem>>) src(%dma_wait3A_146 : memref<8x8x128xf32, #tpu.memory_space<vmem>>) dst(%dma_wait3A_142 : memref<8x8x128xf32, #tpu.memory_space<hbm>>)
    return
  }
}

</mosaic_0001>

<sc_bundles>
// kernel: kernel.3.cloned.1.call-start
scs
__scs_entry_jumppad:
0x0: {  	(pc) =	sbr.rel $0x88, $3  }
0x1: {  	(tag) =	ssettag $0x0;
	lr =	simm.s32 $0x1  }
0x2: {  	[smem:$0x3F9F] =	sst lr;
	_ =	strace $0xD0000000  }
0x3: {  	_ = 	snop  }
0x4: {  	_ = 	snop  }
0x5: {  	_ = 	snop  }
0x6: {  	_ = 	snop  }
0x7: {  	_ = 	snop  }
__scs_overlays_trampoline_lowered:
0x8: {  	[smem:$0x3FAE] =	sst s0  }
0x9: {  	[smem:$0x3FAF] =	sst s1  }
0xa: {  	[smem:$0x3FB0] =	sst s2  }
0xb: {  	[smem:$0x3FB1] =	sst s3  }
0xc: {  	[smem:$0x3FB2] =	sst s4  }
0xd: {  	[smem:$0x3FB3] =	sst s5  }
0xe: {  	[smem:$0x3FB4] =	sst s6  }
0xf: {  	[smem:$0x3FB5] =	sst s7  }
0x10: {  	[smem:$0x3FB6] =	sst s8  }
0x11: {  	[smem:$0x3FB7] =	sst s9;
	s0 =	simm.s32 @!p0 $0x0  }
0x12: {  	s1 =	sld [smem:$0x3F9D];
	s0 =	simm.s32 @p0 $0x1  }
0x13: {  	[smem:$0x3FB8] =	sst s0;
	s0 =	simm.s32 @!p1 $0x0  }
0x14: {  	s2 =	sld [smem:$0x3F9C];
	s0 =	simm.s32 @p1 $0x1  }
0x15: {  	[smem:$0x3FB9] =	sst s0;
	s0 =	simm.s32 @!p2 $0x0  }
0x16: {  	s3 =	sld [smem:$0x3FDB];
	s0 =	simm.s32 @p2 $0x1  }
0x17: {  	s4 =	simm.s32 $0x1BF5;
	[smem:$0x3FBB] =	sst s0  }
0x18: {  	s0 =	sld [smem:$0x3F9E];
	_ =	swait.ge [sflag:s4], $0x0  }
0x19: {  	s7 =	sld [smem:$0x3F9F]  }
0x1a: {  	s8 =	sadd.s32 $0xFFFFE003, lr  }
0x1b: {  	s9 =	sadd.s32 $0xFFFFFEF7, lr;
	s5 =	simm.s32 $0xFFFFFFFF;
	p2 =	slt.u32 s8, $0xFFFFF086  }
0x1c: {  	p1 =	slt.u32 s9, $0xF7A;
	s5 =	simm.s32 @!p2 $0x0  }
0x1d: {  	s5 =	simm.s32 @p1 $0x1;
	p0 =	seq.s32 s7, s2  }
0x1e: {  	s7 =	smul.u32 @!p0 $0xF7A, s2;
	p2 =	seq.s32 @!p0 s5, $0x0  }
0x1f: {  	s9 =	smul.u32 $0xF7A, s1;
	s8 =	simm.s32 @!p0 $0x1BF5;
	p2 =	por !p2, p0  }
0x20: {  	[sflag:s8] =	ssyncset.s32 @!p0 $0xFFFFF086;
	s6 =	sadd.s32 @!p0 s3, s7;
	s7 =	simm.s32 @!p0 $0x108  }
0x21: {  	s3 =	sadd.s32 s3, s9;
	s6 =	sadd.s32 @!p0 $0x88, s6;
	s7 =	simm.s32 @p2 $0x1082  }
0x22: {  	[simem:s7], [sflag:s8] =	dma.local @!p0 [hbm:s6], $0xF7A  }
0x23: {  	s9 =	sor.u32 $0xD0000000, s2;
	s6 =	simm.s32 $0x108;
	_ =	swait.ge @!p0 [sflag:s8], $0x0  }
0x24: {  	s3 =	sadd.s32 $0x88, s3;
	s6 =	simm.s32 @!p1 $0x1082;
	[sflag:s4] =	ssyncset.s32 $0xFFFFF086  }
0x25: {  	[simem:s6], [sflag:s4] =	dma.local [hbm:s3], $0xF7A  }
0x26: {  	[smem:$0x3F9F] =	sst s1;
	(tag) =	ssettag s2;
	_ =	strace s9  }
0x27: {  	s1 =	sld [smem:$0x3FAF]  }
0x28: {  	s2 =	sld [smem:$0x3FB0]  }
0x29: {  	s4 =	sld [smem:$0x3FB2]  }
0x2a: {  	p0 =	seq.s32 s5, $0x0;
	s5 =	sld [smem:$0x3FB3]  }
0x2b: {  	s6 =	sld [smem:$0x3FB4]  }
0x2c: {  	s7 =	sld [smem:$0x3FB5]  }
0x2d: {  	s3 =	simm.s32 $0x108;
	s8 =	sld [smem:$0x3FB6]  }
0x2e: {  	s3 =	simm.s32 @!p0 $0x1082;
	s9 =	sld [smem:$0x3FB7]  }
0x2f: {  	lr =	sadd.s32 s0, s3;
	s0 =	sld [smem:$0x3FAE]  }
0x30: {  	s3 =	sld [smem:$0x3FB1]  }
0x31: {  	[smem:$0x3FBA] =	sst s10  }
0x32: {  	s10 =	sld [smem:$0x3FB8];
	_ =	sdelay $0x3  }
0x33: {  	p0 =	seq.s32 s10, $0x1;
	s10 =	sld [smem:$0x3FBA];
	_ =	sdelay $0x3  }
0x34: {  	[smem:$0x3FBA] =	sst s10  }
0x35: {  	s10 =	sld [smem:$0x3FB9];
	_ =	sdelay $0x3  }
0x36: {  	p1 =	seq.s32 s10, $0x1;
	s10 =	sld [smem:$0x3FBA];
	_ =	sdelay $0x3  }
0x37: {  	[smem:$0x3FBA] =	sst s10  }
0x38: {  	s10 =	sld [smem:$0x3FBB]  }
0x39: {  	_ = 	snop;
	(pc) =	sbr.ind lr, $3  }
0x3a: {  	_ = 	snop  }
0x3b: {  	_ = 	snop  }
0x3c: {  	p2 =	seq.s32 s10, $0x1;
	s10 =	sld [smem:$0x3FBA]  }
0x3d: {  	_ =	shalt  }
0x3e: {  	_ =	shalt  }
0x3f: {  	_ =	shalt  }
0x40: {  	_ =	shalt  }
0x41: {  	_ =	shalt  }
0x42: {  	_ =	shalt  }
0x43: {  	_ =	shalt  }
0x44: {  	_ =	shalt  }
0x45: {  	_ =	shalt  }
0x46: {  	_ =	shalt  }
0x47: {  	_ =	shalt  }
0x48: {  	_ =	shalt  }
0x49: {  	_ =	shalt  }
0x4a: {  	_ =	shalt  }
0x4b: {  	_ =	shalt  }
0x4c: {  	_ =	shalt  }
0x4d: {  	_ =	shalt  }
0x4e: {  	_ =	shalt  }
0x4f: {  	_ =	shalt  }
0x50: {  	_ =	shalt  }
0x51: {  	_ =	shalt  }
0x52: {  	_ =	shalt  }
0x53: {  	_ =	shalt  }
0x54: {  	_ =	shalt  }
0x55: {  	_ =	shalt  }
0x56: {  	_ =	shalt  }
0x57: {  	_ =	shalt  }
0x58: {  	_ =	shalt  }
0x59: {  	_ =	shalt  }
0x5a: {  	_ =	shalt  }
0x5b: {  	_ =	shalt  }
0x5c: {  	_ =	shalt  }
0x5d: {  	_ =	shalt  }
0x5e: {  	_ =	shalt  }
0x5f: {  	_ =	shalt  }
0x60: {  	_ =	shalt  }
0x61: {  	_ =	shalt  }
0x62: {  	_ =	shalt  }
0x63: {  	_ =	shalt  }
0x64: {  	_ =	shalt  }
0x65: {  	_ =	shalt  }
0x66: {  	_ =	shalt  }
0x67: {  	_ =	shalt  }
0x68: {  	_ =	shalt  }
0x69: {  	_ =	shalt  }
0x6a: {  	_ =	shalt  }
0x6b: {  	_ =	shalt  }
0x6c: {  	_ =	shalt  }
0x6d: {  	_ =	shalt  }
0x6e: {  	_ =	shalt  }
0x6f: {  	_ =	shalt  }
0x70: {  	_ =	shalt  }
0x71: {  	_ =	shalt  }
0x72: {  	_ =	shalt  }
0x73: {  	_ =	shalt  }
0x74: {  	_ =	shalt  }
0x75: {  	_ =	shalt  }
0x76: {  	_ =	shalt  }
0x77: {  	_ =	shalt  }
0x78: {  	_ =	shalt  }
0x79: {  	_ =	shalt  }
0x7a: {  	_ =	shalt  }
0x7b: {  	_ =	shalt  }
0x7c: {  	_ =	shalt  }
0x7d: {  	_ =	shalt  }
0x7e: {  	_ =	shalt  }
0x7f: {  	_ =	shalt  }
0x80: {  	_ =	shalt  }
0x81: {  	_ =	shalt  }
0x82: {  	_ =	shalt  }
0x83: {  	_ =	shalt  }
0x84: {  	_ =	shalt  }
0x85: {  	_ =	shalt  }
0x86: {  	_ =	shalt  }
0x87: {  	_ =	shalt  }
.Lfunc_end0:
.L_simem_size_0:
called_computation_lowered:
.L_overlay_start_0:
0x88: {  	s2 =	sld [smem:$0x3FD9]  }
0x89: {  	s3 =	sld [smem:$0x3FFE];
	_ =	sdelay $0x1  }
0x8a: {  	s1 =	srdreg.scid  }
0x8b: {  	s0 =	sand.u32 $0x1, s1  }
0x8c: {  	s17 =	sshll.u32 s0, $0xA;
	s2 =	sadd.s32 s3, s2  }
0x8d: {  	s2 =	sadd.s32 s2, s17  }
0x8e: {  	[smem:$0x3FC6] =	sst s2  }
0x8f: {  	_ = 	snop  }
0x90: {  	s2 =	sld [smem:$0x3FD0];
	(tm) =	ssettm $0x1  }
0x91: {  	s18 =	sld [smem:$0x3FFB];
	_ =	sdelay $0x3  }
0x92: {  	_ =	strace s18  }
0x93: {  	s3 =	sld [smem:$0x3FFC];
	_ =	sdelay $0x3  }
0x94: {  	_ =	strace s3  }
0x95: {  	s3 =	sld [smem:$0x3FFD];
	_ =	sdelay $0x3  }
0x96: {  	_ =	strace s3  }
0x97: {  	_ =	strace $0x8FFFFFFF  }
0x98: {  	s19 =	sld [smem:$0x3FDB];
	_ =	sdelay $0x1  }
0x99: {  	s4 =	simm.s32 $_scs_section_size  }
0x9a: {  	s5 =	simm.s32 $_size__tile_overlayer_lowered;
	s6 =	simm.s32 $_tile_overlayer_lowered  }
0x9b: {  	s22 =	simm.s32 $0x1BFF;
	s21 =	sshll.u32 s6, $0x1;
	s3 =	sadd.s32 s4, s19  }
0x9c: {  	s7 =	simm.s32 $0x0;
	s20 =	sshll.u32 s5, $0x1;
	s5 =	sadd.s32 s21, s3  }
0x9d: {  	[timem:s7], [sflag:s22] =	dma.local [hbm:s5], s20  }
0x9e: {  	_ =	swait.ge [sflag:s22], s20  }
0x9f: {  	s4 =	ssub.s32 $0x0, s20;
	[sflag:s22] =	ssyncset.done $0x0  }
0xa0: {  	[sflag:s22] =	ssyncadd.s32 s4;
	_ =	sdelay $0x1  }
0xa1: {  	s23 =	simm.s32 $0x1B8B  }
0xa2: {  	_ =	swait.ge [sflag:s23], $0x1  }
0xa3: {  	[sflag:s23] =	ssyncset.done $0x0  }
0xa4: {  	s25 =	simm.s32 $0x1B8E;
	s24 =	sld [smem:$0x3FFE];
	[sflag:s23] =	ssyncadd.s32 $0xFFFFFFFF  }
0xa5: {  	s26 =	simm.s32 $execute0_lowered;
	[smem:$0x3FD2] =	sst s25  }
0xa6: {  	s5 =	sshll.u32 s26, $0x1;
	_ =	strace $0x80000046;
	[dreg:$0x1] =	wrdreg $0xFFFFFFFF  }
0xa7: {  	s28 =	simm.s32 $_size_execute0_lowered;
	s3 =	sadd.s32 s3, s5;
	[dreg:$0x0] =	wrdreg $0x0  }
0xa8: {  	s5 =	sshll.u32 s28, $0x1;
	[dreg:$0x2] =	wrdreg s3  }
0xa9: {  	[dreg:$0x3] =	wrdreg s5  }
0xaa: {  	[dreg:$0x4] =	wrdreg $0xC0  }
0xab: {  	_ =	task [dreg:s7], $0x5FFFF  }
0xac: {  	[dreg:$0x1] =	wrdreg $0xFFFFFFFF  }
0xad: {  	[dreg:$0x0] =	wrdreg $0x60  }
0xae: {  	[dreg:$0x2] =	wrdreg s24  }
0xaf: {  	[dreg:$0x3] =	wrdreg s2  }
0xb0: {  	[dreg:$0x4] =	wrdreg $0x9  }
0xb1: {  	_ =	task.clear_ibuf [dreg:s7], $0x5FFFF;
	_ =	strace $0x90000046  }
0xb2: {  	s29 =	simm.s32 $0x9;
	_ =	strace $0x80000048  }
0xb3: {  	_ =	swait.ge [sflag:s29], $0x1  }
0xb4: {  	[sflag:s29] =	ssyncadd.s32 $0xFFFFFFFF  }
0xb5: {  	_ =	strace $0x90000048  }
0xb6: {  	_ =	sfence  }
0xb7: {  	s30 =	sld [smem:$0x0];
	_ =	sdelay $0x2  }
0xb8: {  	s31 =	sshll.u32 s1, $0xD;
	s1 =	sshrl.u32 s1, $0x2  }
0xb9: {  	s3 =	sand.u32 $0x4000, s31;
	s1 =	sadd.s32 s1, s30  }
0xba: {  	s0 =	sor.u32 s3, s0;
	s1 =	sshll.u32 s1, $0x11  }
0xbb: {  	s0 =	sor.u32 s1, s0  }
0xbc: {  	s0 =	sadd.s32 $0x8F2B, s0  }
0xbd: {  	[sflag:s0] =	ssyncadd.remote.s32 $0x1  }
0xbe: {  	_ =	sfence.sel $0xFFFF  }
0xbf: {  	[dreg:$0x0] =	wrdreg $0xFFFFFFFF;
	(pc) =	sbr.abs _section_cstart, $3  }
0xc0: {  	[dreg:$0x1] =	wrdreg $0xFFFFFFFF  }
0xc1: {  	_ =	task.clear_ibuf [dreg:s7], $0x2FFFF;
	_ =	strace $0x9FFFFFFF  }
0xc2: {  	(tm) =	ssettm $0x7FFFFFFF  }
0xc3: {  	_ =	shalt  }
tec
execute0_lowered:
.L_overlay_start_1:
0x0: {  	(tag) =	ssettag $0x1  }
0x1: {  	s0 =	rddreg [dreg:$0x0];
	s1 =	srdreg.scid  }
0x2: {  	s3 =	stileid.u32;
	s2 =	rddreg [dreg:$0x1];
	s9 =	simm.s32 $0x80  }
0x3: {  	s11 =	simm.s32 $0x9;
	s19 =	simm.s32 $0x1;
	s20 =	simm.s32 $0x11600  }
0x4: {  	s21 =	simm.s32 $0x2;
	s22 =	simm.s32 $0x13A00;
	s23 =	simm.s32 $0x3  }
0x5: {  	s24 =	simm.s32 $0x15E00;
	s25 =	simm.s32 $0x4;
	s28 =	simm.s32 $0x5  }
0x6: {  	s29 =	simm.s32 $0x6;
	s30 =	simm.s32 $0x7;
	s31 =	simm.s32 $0x8  }
0x7: {  	s1 =	sand.u32 $0x1, s1;
	s4 =	sshll.u32 s3, $0x1;
	s3 =	simm.s32 $0x0  }
0x8: {  	s5 =	sadd.s32 $0x19800, s0;
	s7 =	sor.u32 s1, s4;
	[smem:$0x7FF] =	sst s3  }
0x9: {  	v0 =	vlaneseq.u32;
	s1 =	ssub.s32 $0x2, s1;
	s4 =	sshll.u32 s7, $0x4;
	_ =	strace $0x80000047  }
0xa: {  	v0 =	vmul.u32 $0x90, v0;
	s26 =	sshrl.u32 s1, $0x1;
	s7 =	sshll.u32 s7, $0xA;
	s6 =	sadd.s32 s4, s0  }
0xb: {  	s4 =	sadd.s32 $0xF42C00, s0;
	s0 =	ssub.s32 s1, s26;
	s26 =	simm.s32 $0x18200  }
0xc: {  	v1 =	vadd.s32 $0x900, v0;
	v2 =	vadd.s32 $0x1200, v0;
	v3 =	vadd.s32 $0x1B00, v0;
	s1 =	simm.s32 $0x0;
	s6 =	sadd.s32 $0x800, s6;
	s8 =	smax.u32 s0, $0x1  }
.LBB2_1:
0xd: {  	s0 =	simm.s32 $0x1000  }
0xe: {  	[tilespmem:s3], [sflag:$0x9] =	stream.strided.gather [hbm4b:s6+s9], $0x6400, s0, s9, $0x38;
	[tilespmem:$0x1A600] =	vst v63  }
0xf: {  	_ =	swait.ge [sflag:s11], $0x6400  }
0x10: {  	[sflag:s11] =	ssyncset.done $0x0  }
0x11: {  	s13 =	simm.s32 $0x6400;
	[sflag:s11] =	ssyncadd.s32 $0xFFFF9C00  }
0x12: {  	[tilespmem:s13], [sflag:$0x9] =	stream.linear.gather [hbm4b:s5+s3], $0x3200, $0x38;
	[tilespmem:$0x1A600] =	vst v63  }
0x13: {  	_ =	swait.ge [sflag:s11], $0x3200  }
0x14: {  	[sflag:s11] =	ssyncset.done $0x0  }
0x15: {  	s14 =	simm.s32 $0x9600;
	[sflag:s11] =	ssyncadd.s32 $0xFFFFCE00  }
0x16: {  	[tilespmem:s14], [sflag:$0x1] =	stream.indirect.gather [hbm4b:s4+s9], $0x40, s3, s9, $0xb8;
	[tilespmem:$0x1A600] =	vst v63  }
0x17: {  	s15 =	simm.s32 $0xB600  }
0x18: {  	[tilespmem:s15], [sflag:$0x2] =	stream.indirect.gather [hbm4b:s4+s9], $0x40, s9, s9, $0xb8;
	[tilespmem:$0x1A600] =	vst v63  }
0x19: {  	s16 =	simm.s32 $0x100;
	s10 =	simm.s32 $0xD600  }
0x1a: {  	[tilespmem:s10], [sflag:$0x3] =	stream.indirect.gather [hbm4b:s4+s9], $0x40, s16, s9, $0xb8;
	[tilespmem:$0x1A600] =	vst v63  }
0x1b: {  	s17 =	simm.s32 $0x180;
	s18 =	simm.s32 $0xF600;
	s0 =	simm.s32 $0x0  }
0x1c: {  	[tilespmem:s18], [sflag:$0x4] =	stream.indirect.gather [hbm4b:s4+s9], $0x40, s17, s9, $0xb8;
	[tilespmem:$0x1A600] =	vst v63  }
.LBB2_2:
0x1d: {  	_ =	swait.ge [sflag:s19], $0x2000  }
0x1e: {  	p0 =	seq.s32 s0, $0x0;
	[sflag:s19] =	ssyncset.done $0x0  }
0x1f: {  	s10 =	simm.s32 @!p0 $0x5;
	[sflag:s19] =	ssyncadd.s32 $0xFFFFE000  }
0x20: {  	_ =	swait.ge @!p0 [sflag:s10], $0x2000  }
0x21: {  	s12 =	sshll.u32 s0, $0x8;
	[sflag:s10] =	ssyncset.done @!p0 $0x0  }
0x22: {  	s16 =	sand.u32 $0x3FFFFF00, s12;
	[sflag:s10] =	ssyncadd.s32 @!p0 $0xFFFFE000  }
0x23: {  	v4 =	vld [tilespmem:s16+$0x6400]  }
0x24: {  	v5 =	vld [tilespmem:s16+$0x6410]  }
0x25: {  	v6 =	vld [tilespmem:s16+$0x6420]  }
0x26: {  	s10 =	simm.s32 $0x9640;
	v7 =	vld [tilespmem:s16+$0x6430]  }
0x27: {  	v8 =	vld [tilespmem:s10+$0xFFFFFFC0]  }
0x28: {  	s17 =	simm.s32 $0x0;
	v9 =	vld [tilespmem:s10+$0xFFFFFFD0]  }
0x29: {  	v10 =	vmov s17;
	v11 =	vld [tilespmem:s10+$0xFFFFFFE0]  }
0x2a: {  	v10 =	vand.u32 $0x7E, v10;
	v12 =	vld [tilespmem:s10+$0xFFFFFFF0]  }
0x2b: {  	s18 =	simm.s32 $0x1;
	v14 =	vadd.s32 v0, v10;
	v13 =	vld [tilespmem:s10+$0x0]  }
0x2c: {  	v18 =	vmov s18;
	v16 =	vadd.s32 v1, v10;
	v15 =	vld [tilespmem:s10+$0x10];
	v8 =	vmul.f32 $8.000000000e+00, v8  }
0x2d: {  	v17 =	vadd.s32 v3, v10;
	v10 =	vadd.s32 v2, v10;
	v9 =	vmul.f32 $8.000000000e+00, v9  }
0x2e: {  	v18 =	vand.u32 $0x7F, v18;
	v11 =	vmul.f32 $8.000000000e+00, v11;
	v8 =	vadd.f32 v8, v4  }
0x2f: {  	v21 =	vadd.s32 v0, v18;
	v19 =	vld [tilespmem:s10+$0x20];
	v12 =	vmul.f32 $8.000000000e+00, v12;
	v9 =	vadd.f32 v9, v5  }
0x30: {  	v20 =	vld [tilespmem:s10+$0x30];
	v13 =	vmul.f32 $8.000000000e+00, v13;
	v11 =	vadd.f32 v11, v6;
	[tilespmem:v14+s20+$0x0] =	vst.idx.msk $0xffff, v8;
	v8 =	vadd.s32 v1, v18  }
0x31: {  	v60 =	vmul.f32 $8.000000000e+00, v15;
	v12 =	vadd.f32 v12, v7;
	[tilespmem:v16+s20+$0x0] =	vst.idx.msk $0xffff, v9  }
0x32: {  	v9 =	vadd.f32 v13, v4;
	[tilespmem:v10+s20+$0x0] =	vst.idx.msk $0xffff, v11  }
0x33: {  	v61 =	vadd.s32 v2, v18;
	v10 =	vadd.f32 v60, v5;
	[tilespmem:v17+s20+$0x0] =	vst.idx.msk $0xffff, v12  }
0x34: {  	v62 =	vmul.f32 $8.000000000e+00, v19;
	[tilespmem:v21+s20+$0x0] =	vst.idx.msk $0xffff, v9  }
0x35: {  	[tilespmem:v8+s20+$0x0] =	vst.idx.msk $0xffff, v10;
	v8 =	vadd.s32 v3, v18  }
0x36: {  	v63 =	vadd.f32 v62, v6;
	v11 =	vmul.f32 $8.000000000e+00, v20;
	_ =	sdelay $0x1  }
0x37: {  	s13 =	simm.s32 $0x2;
	s12 =	sshll.u32 s0, $0x2;
	v9 =	vadd.f32 v11, v7;
	[tilespmem:v61+s20+$0x0] =	vst.idx.msk $0xffff, v63  }
.LBB2_3:
0x38: {  	p1 =	sne.s32 s13, $0x7E  }
0x39: {  	[tilespmem:v8+s20+$0x0] =	vst.idx.msk $0xffff, v9;
	s10 =	sadd.s32 $0x80, s10;
	s14 =	smov.u32 s13;
	s13 =	sadd.s32 $0x2, s13  }
0x3a: {  	v8 =	vld [tilespmem:s10+$0xFFFFFFC0]  }
0x3b: {  	v9 =	vld [tilespmem:s10+$0xFFFFFFD0]  }
0x3c: {  	v10 =	vmov s14;
	v11 =	vld [tilespmem:s10+$0xFFFFFFE0]  }
0x3d: {  	v10 =	vand.u32 $0x7E, v10;
	v12 =	vld [tilespmem:s10+$0xFFFFFFF0]  }
0x3e: {  	v14 =	vadd.s32 v0, v10;
	v13 =	vld [tilespmem:s10+$0x0]  }
0x3f: {  	s14 =	sadd.s32 $0x1, s14;
	v16 =	vadd.s32 v1, v10;
	v17 =	vadd.s32 v3, v10;
	v8 =	vmul.f32 $8.000000000e+00, v8;
	v15 =	vld [tilespmem:s10+$0x10]  }
0x40: {  	v18 =	vmov s14;
	v10 =	vadd.s32 v2, v10;
	v9 =	vmul.f32 $8.000000000e+00, v9;
	v19 =	vld [tilespmem:s10+$0x20]  }
0x41: {  	v18 =	vand.u32 $0x7F, v18;
	v8 =	vadd.f32 v8, v4;
	v11 =	vmul.f32 $8.000000000e+00, v11;
	v20 =	vld [tilespmem:s10+$0x30]  }
0x42: {  	v21 =	vadd.s32 v0, v18;
	v9 =	vadd.f32 v9, v5;
	v12 =	vmul.f32 $8.000000000e+00, v12  }
0x43: {  	v11 =	vadd.f32 v11, v6;
	v13 =	vmul.f32 $8.000000000e+00, v13;
	[tilespmem:v14+s20+$0x0] =	vst.idx.msk $0xffff, v8;
	v14 =	vadd.s32 v1, v18  }
0x44: {  	v12 =	vadd.f32 v12, v7;
	v15 =	vmul.f32 $8.000000000e+00, v15;
	[tilespmem:v16+s20+$0x0] =	vst.idx.msk $0xffff, v9;
	v16 =	vadd.s32 v2, v18  }
.Ltmp0:
0x45: {  	v8 =	vadd.s32 v3, v18;
	v9 =	vadd.f32 v13, v4;
	v13 =	vmul.f32 $8.000000000e+00, v19;
	[tilespmem:v10+s20+$0x0] =	vst.idx.msk $0xffff, v11;
	(pc) =	sbr.rel @p1 .LBB2_3-.Ltmp0, $4  }
0x46: {  	v10 =	vadd.f32 v15, v5;
	v11 =	vmul.f32 $8.000000000e+00, v20;
	[tilespmem:v17+s20+$0x0] =	vst.idx.msk $0xffff, v12  }
0x47: {  	v12 =	vadd.f32 v13, v6;
	[tilespmem:v21+s20+$0x0] =	vst.idx.msk $0xffff, v9  }
0x48: {  	v9 =	vadd.f32 v11, v7;
	[tilespmem:v14+s20+$0x0] =	vst.idx.msk $0xffff, v10  }
0x49: {  	[tilespmem:v16+s20+$0x0] =	vst.idx.msk $0xffff, v12  }
0x4a: {  	_ = 	snop  }
0x4b: {  	p1 =	seq.s32 s0, $0x31  }
0x4c: {  	s10 =	sshll.u32 @!p1 s0, $0x9  }
0x4d: {  	s17 =	sshll.u32 s0, $0x14;
	s10 =	sand.u32 @!p1 $0x3FFFFE00, s10  }
0x4e: {  	[tilespmem:v8+s20+$0x0] =	vst.idx.msk $0xffff, v9;
	s14 =	simm.s32 @!p1 $0x80;
	s15 =	simm.s32 @!p1 $0x9600;
	s13 =	sadd.s32 @!p1 $0x200, s10  }
0x4f: {  	[tilespmem:s15], [sflag:$0x1] =	stream.indirect.gather @!p1 [hbm4b:s4+s14], $0x40, s13, s14, $0xb8;
	[tilespmem:$0x1A600] =	vst v63  }
0x50: {  	s13 =	sor.u32 s7, s17  }
0x51: {  	s13 =	sshrl.u32 s13, $0x3  }
0x52: {  	s18 =	simm.s32 $0x11600;
	s14 =	sadd.s32 s2, s13  }
0x53: {  	[hbm4b:s14+s3] =	stream.linear.scatter [tilespmem:s18], [sflag:$0x5], $0x80, $0x38;
	[tilespmem:$0x1A600] =	vst v63  }
0x54: {  	s15 =	simm.s32 $0x11690;
	s16 =	sadd.s32 $0x10, s14  }
0x55: {  	[hbm4b:s16+s3] =	stream.linear.scatter [tilespmem:s15], [sflag:$0x5], $0x80, $0x38;
	[tilespmem:$0x1A600] =	vst v63  }
0x56: {  	s17 =	simm.s32 $0x11720;
	s18 =	sadd.s32 $0x20, s14  }
0x57: {  	[hbm4b:s18+s3] =	stream.linear.scatter [tilespmem:s17], [sflag:$0x5], $0x80, $0x38;
	[tilespmem:$0x1A600] =	vst v63  }
0x58: {  	s15 =	simm.s32 $0x117B0;
	s16 =	sadd.s32 $0x30, s14  }
0x59: {  	[hbm4b:s16+s3] =	stream.linear.scatter [tilespmem:s15], [sflag:$0x5], $0x80, $0x38;
	[tilespmem:$0x1A600] =	vst v63  }
0x5a: {  	s17 =	simm.s32 $0x11840;
	s18 =	sadd.s32 $0x40, s14  }
0x5b: {  	[hbm4b:s18+s3] =	stream.linear.scatter [tilespmem:s17], [sflag:$0x5], $0x80, $0x38;
	[tilespmem:$0x1A600] =	vst v63  }
0x5c: {  	s13 =	simm.s32 $0x480;
	s15 =	simm.s32 $0x118D0;
	s16 =	sadd.s32 $0x50, s14  }
0x5d: {  	[hbm4b:s16+s3] =	stream.linear.scatter [tilespmem:s15], [sflag:$0x5], $0x80, $0x38;
	[tilespmem:$0x1A600] =	vst v63  }
0x5e: {  	s17 =	simm.s32 $0x11960;
	s18 =	sadd.s32 $0x60, s14;
	s15 =	simm.s32 $0x2400  }
0x5f: {  	[hbm4b:s18+s3] =	stream.linear.scatter [tilespmem:s17], [sflag:$0x5], $0x80, $0x38;
	[tilespmem:$0x1A600] =	vst v63  }
0x60: {  	s16 =	simm.s32 $0x119F0;
	s17 =	sadd.s32 $0x70, s14;
	s14 =	sadd.s32 $0x1000, s14  }
.LBB2_5:
0x61: {  	[hbm4b:s17+s3] =	stream.linear.scatter [tilespmem:s16], [sflag:$0x5], $0x80, $0x38;
	[tilespmem:$0x1A600] =	vst v63  }
0x62: {  	s16 =	smov.u32 s13;
	s13 =	smov.u32 s15  }
0x63: {  	s18 =	sadd.s32 $0x1200, s15;
	s13 =	sshra.s32 s13, $0x2;
	s17 =	sadd.s32 $0x11600, s16  }
0x64: {  	[hbm4b:s14+s3] =	stream.linear.scatter [tilespmem:s17], [sflag:$0x5], $0x80, $0x38;
	[tilespmem:$0x1A600] =	vst v63  }
0x65: {  	p2 =	sne.s32 s15, $0x7E00;
	s15 =	sadd.s32 $0x11690, s16;
	s17 =	sadd.s32 $0x10, s14  }
0x66: {  	[hbm4b:s17+s3] =	stream.linear.scatter [tilespmem:s15], [sflag:$0x5], $0x80, $0x38;
	[tilespmem:$0x1A600] =	vst v63  }
0x67: {  	s15 =	sadd.s32 $0x11720, s16;
	s17 =	sadd.s32 $0x20, s14  }
0x68: {  	[hbm4b:s17+s3] =	stream.linear.scatter [tilespmem:s15], [sflag:$0x5], $0x80, $0x38;
	[tilespmem:$0x1A600] =	vst v63  }
0x69: {  	s15 =	sadd.s32 $0x117B0, s16;
	s17 =	sadd.s32 $0x30, s14  }
0x6a: {  	[hbm4b:s17+s3] =	stream.linear.scatter [tilespmem:s15], [sflag:$0x5], $0x80, $0x38;
	[tilespmem:$0x1A600] =	vst v63  }
0x6b: {  	s15 =	sadd.s32 $0x11840, s16;
	s17 =	sadd.s32 $0x40, s14  }
0x6c: {  	[hbm4b:s17+s3] =	stream.linear.scatter [tilespmem:s15], [sflag:$0x5], $0x80, $0x38;
	[tilespmem:$0x1A600] =	vst v63  }
.Ltmp1:
0x6d: {  	s15 =	sadd.s32 $0x118D0, s16;
	s17 =	sadd.s32 $0x50, s14;
	(pc) =	sbr.rel @p2 .LBB2_5-.Ltmp1, $4  }
0x6e: {  	[hbm4b:s17+s3] =	stream.linear.scatter [tilespmem:s15], [sflag:$0x5], $0x80, $0x38;
	[tilespmem:$0x1A600] =	vst v63  }
0x6f: {  	s15 =	sadd.s32 $0x11960, s16;
	s17 =	sadd.s32 $0x60, s14;
	s16 =	sadd.s32 $0x119F0, s16  }
0x70: {  	[hbm4b:s17+s3] =	stream.linear.scatter [tilespmem:s15], [sflag:$0x5], $0x80, $0x38;
	[tilespmem:$0x1A600] =	vst v63  }
0x71: {  	s17 =	sadd.s32 $0x70, s14;
	s14 =	sadd.s32 $0x1000, s14;
	s15 =	smov.u32 s18  }
0x72: {  	[hbm4b:s17+s3] =	stream.linear.scatter [tilespmem:s16], [sflag:$0x5], $0x80, $0x38;
	[tilespmem:$0x1A600] =	vst v63  }
0x73: {  	s15 =	sadd.s32 $0x11600, s13  }
0x74: {  	[hbm4b:s14+s3] =	stream.linear.scatter [tilespmem:s15], [sflag:$0x5], $0x80, $0x38;
	[tilespmem:$0x1A600] =	vst v63  }
0x75: {  	s17 =	sadd.s32 $0x11690, s13;
	s18 =	sadd.s32 $0x10, s14  }
0x76: {  	[hbm4b:s18+s3] =	stream.linear.scatter [tilespmem:s17], [sflag:$0x5], $0x80, $0x38;
	[tilespmem:$0x1A600] =	vst v63  }
0x77: {  	s17 =	sadd.s32 $0x11720, s13;
	s18 =	sadd.s32 $0x20, s14  }
0x78: {  	[hbm4b:s18+s3] =	stream.linear.scatter [tilespmem:s17], [sflag:$0x5], $0x80, $0x38;
	[tilespmem:$0x1A600] =	vst v63  }
0x79: {  	s17 =	sadd.s32 $0x117B0, s13;
	s18 =	sadd.s32 $0x30, s14  }
0x7a: {  	[hbm4b:s18+s3] =	stream.linear.scatter [tilespmem:s17], [sflag:$0x5], $0x80, $0x38;
	[tilespmem:$0x1A600] =	vst v63  }
0x7b: {  	s17 =	sadd.s32 $0x11840, s13;
	s18 =	sadd.s32 $0x40, s14  }
0x7c: {  	[hbm4b:s18+s3] =	stream.linear.scatter [tilespmem:s17], [sflag:$0x5], $0x80, $0x38;
	[tilespmem:$0x1A600] =	vst v63  }
0x7d: {  	s17 =	sadd.s32 $0x118D0, s13;
	s18 =	sadd.s32 $0x50, s14  }
0x7e: {  	[hbm4b:s18+s3] =	stream.linear.scatter [tilespmem:s17], [sflag:$0x5], $0x80, $0x38;
	[tilespmem:$0x1A600] =	vst v63  }
0x7f: {  	s17 =	sadd.s32 $0x11960, s13;
	s18 =	sadd.s32 $0x60, s14  }
0x80: {  	[hbm4b:s18+s3] =	stream.linear.scatter [tilespmem:s17], [sflag:$0x5], $0x80, $0x38;
	[tilespmem:$0x1A600] =	vst v63  }
0x81: {  	s16 =	sadd.s32 $0x119F0, s13;
	s17 =	sadd.s32 $0x70, s14  }
0x82: {  	[hbm4b:s17+s3] =	stream.linear.scatter [tilespmem:s16], [sflag:$0x5], $0x80, $0x38;
	[tilespmem:$0x1A600] =	vst v63  }
0x83: {  	_ =	swait.ge [sflag:s21], $0x2000  }
0x84: {  	[sflag:s21] =	ssyncset.done $0x0  }
0x85: {  	s14 =	simm.s32 @!p0 $0x6;
	[sflag:s21] =	ssyncadd.s32 $0xFFFFE000  }
0x86: {  	s13 =	sor.u32 $0x1, s12;
	_ =	swait.ge @!p0 [sflag:s14], $0x2000  }
0x87: {  	s18 =	sshll.u32 s13, $0x6;
	[sflag:s14] =	ssyncset.done @!p0 $0x0  }
0x88: {  	s16 =	sand.u32 $0x3FFFFFC0, s18;
	[sflag:s14] =	ssyncadd.s32 @!p0 $0xFFFFE000  }
0x89: {  	v4 =	vld [tilespmem:s16+$0x6400]  }
0x8a: {  	v5 =	vld [tilespmem:s16+$0x6410]  }
0x8b: {  	v6 =	vld [tilespmem:s16+$0x6420]  }
0x8c: {  	s14 =	simm.s32 $0xB640;
	v7 =	vld [tilespmem:s16+$0x6430]  }
0x8d: {  	v8 =	vld [tilespmem:s14+$0xFFFFFFC0]  }
0x8e: {  	s17 =	simm.s32 $0x0;
	v9 =	vld [tilespmem:s14+$0xFFFFFFD0]  }
0x8f: {  	v10 =	vmov s17;
	v11 =	vld [tilespmem:s14+$0xFFFFFFE0]  }
0x90: {  	v10 =	vand.u32 $0x7E, v10;
	v12 =	vld [tilespmem:s14+$0xFFFFFFF0]  }
0x91: {  	s18 =	simm.s32 $0x1;
	v14 =	vadd.s32 v0, v10;
	v13 =	vld [tilespmem:s14+$0x0]  }
0x92: {  	v18 =	vmov s18;
	v16 =	vadd.s32 v1, v10;
	v15 =	vld [tilespmem:s14+$0x10];
	v8 =	vmul.f32 $8.000000000e+00, v8  }
0x93: {  	v17 =	vadd.s32 v3, v10;
	v10 =	vadd.s32 v2, v10;
	v9 =	vmul.f32 $8.000000000e+00, v9  }
0x94: {  	v18 =	vand.u32 $0x7F, v18;
	v11 =	vmul.f32 $8.000000000e+00, v11;
	v8 =	vadd.f32 v8, v4  }
0x95: {  	v21 =	vadd.s32 v0, v18;
	v19 =	vld [tilespmem:s14+$0x20];
	v12 =	vmul.f32 $8.000000000e+00, v12;
	v9 =	vadd.f32 v9, v5  }
0x96: {  	v20 =	vld [tilespmem:s14+$0x30];
	v13 =	vmul.f32 $8.000000000e+00, v13;
	v11 =	vadd.f32 v11, v6;
	[tilespmem:v14+s22+$0x0] =	vst.idx.msk $0xffff, v8;
	v8 =	vadd.s32 v1, v18  }
0x97: {  	v60 =	vmul.f32 $8.000000000e+00, v15;
	v12 =	vadd.f32 v12, v7;
	[tilespmem:v16+s22+$0x0] =	vst.idx.msk $0xffff, v9  }
0x98: {  	v9 =	vadd.f32 v13, v4;
	[tilespmem:v10+s22+$0x0] =	vst.idx.msk $0xffff, v11  }
0x99: {  	v61 =	vadd.s32 v2, v18;
	v10 =	vadd.f32 v60, v5;
	[tilespmem:v17+s22+$0x0] =	vst.idx.msk $0xffff, v12  }
0x9a: {  	v62 =	vmul.f32 $8.000000000e+00, v19;
	[tilespmem:v21+s22+$0x0] =	vst.idx.msk $0xffff, v9  }
0x9b: {  	[tilespmem:v8+s22+$0x0] =	vst.idx.msk $0xffff, v10;
	v8 =	vadd.s32 v3, v18  }
0x9c: {  	v63 =	vadd.f32 v62, v6;
	v11 =	vmul.f32 $8.000000000e+00, v20;
	_ =	sdelay $0x1  }
0x9d: {  	s15 =	simm.s32 $0x2;
	v9 =	vadd.f32 v11, v7;
	[tilespmem:v61+s22+$0x0] =	vst.idx.msk $0xffff, v63  }
.LBB2_7:
0x9e: {  	p2 =	sne.s32 s15, $0x7E  }
0x9f: {  	[tilespmem:v8+s22+$0x0] =	vst.idx.msk $0xffff, v9;
	s14 =	sadd.s32 $0x80, s14;
	s16 =	smov.u32 s15;
	s15 =	sadd.s32 $0x2, s15  }
0xa0: {  	v8 =	vld [tilespmem:s14+$0xFFFFFFC0]  }
0xa1: {  	v9 =	vld [tilespmem:s14+$0xFFFFFFD0]  }
0xa2: {  	v10 =	vmov s16;
	v11 =	vld [tilespmem:s14+$0xFFFFFFE0]  }
0xa3: {  	v10 =	vand.u32 $0x7E, v10;
	v12 =	vld [tilespmem:s14+$0xFFFFFFF0]  }
0xa4: {  	v14 =	vadd.s32 v0, v10;
	v13 =	vld [tilespmem:s14+$0x0]  }
0xa5: {  	s16 =	sadd.s32 $0x1, s16;
	v16 =	vadd.s32 v1, v10;
	v17 =	vadd.s32 v3, v10;
	v8 =	vmul.f32 $8.000000000e+00, v8;
	v15 =	vld [tilespmem:s14+$0x10]  }
0xa6: {  	v18 =	vmov s16;
	v10 =	vadd.s32 v2, v10;
	v9 =	vmul.f32 $8.000000000e+00, v9;
	v19 =	vld [tilespmem:s14+$0x20]  }
0xa7: {  	v18 =	vand.u32 $0x7F, v18;
	v8 =	vadd.f32 v8, v4;
	v11 =	vmul.f32 $8.000000000e+00, v11;
	v20 =	vld [tilespmem:s14+$0x30]  }
0xa8: {  	v21 =	vadd.s32 v0, v18;
	v9 =	vadd.f32 v9, v5;
	v12 =	vmul.f32 $8.000000000e+00, v12  }
0xa9: {  	v11 =	vadd.f32 v11, v6;
	v13 =	vmul.f32 $8.000000000e+00, v13;
	[tilespmem:v14+s22+$0x0] =	vst.idx.msk $0xffff, v8;
	v14 =	vadd.s32 v1, v18  }
0xaa: {  	v12 =	vadd.f32 v12, v7;
	v15 =	vmul.f32 $8.000000000e+00, v15;
	[tilespmem:v16+s22+$0x0] =	vst.idx.msk $0xffff, v9;
	v16 =	vadd.s32 v2, v18  }
.Ltmp2:
0xab: {  	v8 =	vadd.s32 v3, v18;
	v9 =	vadd.f32 v13, v4;
	v13 =	vmul.f32 $8.000000000e+00, v19;
	[tilespmem:v10+s22+$0x0] =	vst.idx.msk $0xffff, v11;
	(pc) =	sbr.rel @p2 .LBB2_7-.Ltmp2, $4  }
0xac: {  	v10 =	vadd.f32 v15, v5;
	v11 =	vmul.f32 $8.000000000e+00, v20;
	[tilespmem:v17+s22+$0x0] =	vst.idx.msk $0xffff, v12  }
0xad: {  	v12 =	vadd.f32 v13, v6;
	[tilespmem:v21+s22+$0x0] =	vst.idx.msk $0xffff, v9  }
0xae: {  	v9 =	vadd.f32 v11, v7;
	[tilespmem:v14+s22+$0x0] =	vst.idx.msk $0xffff, v10  }
0xaf: {  	[tilespmem:v16+s22+$0x0] =	vst.idx.msk $0xffff, v12  }
0xb0: {  	_ =	sdelay $0x2  }
0xb1: {  	s14 =	sadd.s32 @!p1 $0x280, s10  }
0xb2: {  	[tilespmem:v8+s22+$0x0] =	vst.idx.msk $0xffff, v9;
	s15 =	simm.s32 @!p1 $0x80;
	s16 =	simm.s32 @!p1 $0xB600;
	s13 =	sshll.u32 s13, $0x12  }
0xb3: {  	[tilespmem:s16], [sflag:$0x2] =	stream.indirect.gather @!p1 [hbm4b:s4+s15], $0x40, s14, s15, $0xb8;
	[tilespmem:$0x1A600] =	vst v63  }
0xb4: {  	s13 =	sor.u32 s7, s13  }
0xb5: {  	s13 =	sshrl.u32 s13, $0x3  }
0xb6: {  	s18 =	simm.s32 $0x13A00;
	s14 =	sadd.s32 s2, s13  }
0xb7: {  	[hbm4b:s14+s3] =	stream.linear.scatter [tilespmem:s18], [sflag:$0x6], $0x80, $0x38;
	[tilespmem:$0x1A600] =	vst v63  }
0xb8: {  	s15 =	simm.s32 $0x13A90;
	s16 =	sadd.s32 $0x10, s14  }
0xb9: {  	[hbm4b:s16+s3] =	stream.linear.scatter [tilespmem:s15], [sflag:$0x6], $0x80, $0x38;
	[tilespmem:$0x1A600] =	vst v63  }
0xba: {  	s17 =	simm.s32 $0x13B20;
	s18 =	sadd.s32 $0x20, s14  }
0xbb: {  	[hbm4b:s18+s3] =	stream.linear.scatter [tilespmem:s17], [sflag:$0x6], $0x80, $0x38;
	[tilespmem:$0x1A600] =	vst v63  }
0xbc: {  	s15 =	simm.s32 $0x13BB0;
	s16 =	sadd.s32 $0x30, s14  }
0xbd: {  	[hbm4b:s16+s3] =	stream.linear.scatter [tilespmem:s15], [sflag:$0x6], $0x80, $0x38;
	[tilespmem:$0x1A600] =	vst v63  }
0xbe: {  	s17 =	simm.s32 $0x13C40;
	s18 =	sadd.s32 $0x40, s14  }
0xbf: {  	[hbm4b:s18+s3] =	stream.linear.scatter [tilespmem:s17], [sflag:$0x6], $0x80, $0x38;
	[tilespmem:$0x1A600] =	vst v63  }
0xc0: {  	s13 =	simm.s32 $0x480;
	s15 =	simm.s32 $0x13CD0;
	s16 =	sadd.s32 $0x50, s14  }
0xc1: {  	[hbm4b:s16+s3] =	stream.linear.scatter [tilespmem:s15], [sflag:$0x6], $0x80, $0x38;
	[tilespmem:$0x1A600] =	vst v63  }
0xc2: {  	s17 =	simm.s32 $0x13D60;
	s18 =	sadd.s32 $0x60, s14;
	s15 =	simm.s32 $0x2400  }
0xc3: {  	[hbm4b:s18+s3] =	stream.linear.scatter [tilespmem:s17], [sflag:$0x6], $0x80, $0x38;
	[tilespmem:$0x1A600] =	vst v63  }
0xc4: {  	s16 =	simm.s32 $0x13DF0;
	s17 =	sadd.s32 $0x70, s14;
	s14 =	sadd.s32 $0x1000, s14  }
.LBB2_9:
0xc5: {  	[hbm4b:s17+s3] =	stream.linear.scatter [tilespmem:s16], [sflag:$0x6], $0x80, $0x38;
	[tilespmem:$0x1A600] =	vst v63  }
0xc6: {  	s16 =	smov.u32 s13;
	s13 =	smov.u32 s15  }
0xc7: {  	s18 =	sadd.s32 $0x1200, s15;
	s13 =	sshra.s32 s13, $0x2;
	s17 =	sadd.s32 $0x13A00, s16  }
0xc8: {  	[hbm4b:s14+s3] =	stream.linear.scatter [tilespmem:s17], [sflag:$0x6], $0x80, $0x38;
	[tilespmem:$0x1A600] =	vst v63  }
0xc9: {  	p2 =	sne.s32 s15, $0x7E00;
	s15 =	sadd.s32 $0x13A90, s16;
	s17 =	sadd.s32 $0x10, s14  }
0xca: {  	[hbm4b:s17+s3] =	stream.linear.scatter [tilespmem:s15], [sflag:$0x6], $0x80, $0x38;
	[tilespmem:$0x1A600] =	vst v63  }
0xcb: {  	s15 =	sadd.s32 $0x13B20, s16;
	s17 =	sadd.s32 $0x20, s14  }
0xcc: {  	[hbm4b:s17+s3] =	stream.linear.scatter [tilespmem:s15], [sflag:$0x6], $0x80, $0x38;
	[tilespmem:$0x1A600] =	vst v63  }
0xcd: {  	s15 =	sadd.s32 $0x13BB0, s16;
	s17 =	sadd.s32 $0x30, s14  }
0xce: {  	[hbm4b:s17+s3] =	stream.linear.scatter [tilespmem:s15], [sflag:$0x6], $0x80, $0x38;
	[tilespmem:$0x1A600] =	vst v63  }
0xcf: {  	s15 =	sadd.s32 $0x13C40, s16;
	s17 =	sadd.s32 $0x40, s14  }
0xd0: {  	[hbm4b:s17+s3] =	stream.linear.scatter [tilespmem:s15], [sflag:$0x6], $0x80, $0x38;
	[tilespmem:$0x1A600] =	vst v63  }
.Ltmp3:
0xd1: {  	s15 =	sadd.s32 $0x13CD0, s16;
	s17 =	sadd.s32 $0x50, s14;
	(pc) =	sbr.rel @p2 .LBB2_9-.Ltmp3, $4  }
0xd2: {  	[hbm4b:s17+s3] =	stream.linear.scatter [tilespmem:s15], [sflag:$0x6], $0x80, $0x38;
	[tilespmem:$0x1A600] =	vst v63  }
0xd3: {  	s15 =	sadd.s32 $0x13D60, s16;
	s17 =	sadd.s32 $0x60, s14;
	s16 =	sadd.s32 $0x13DF0, s16  }
0xd4: {  	[hbm4b:s17+s3] =	stream.linear.scatter [tilespmem:s15], [sflag:$0x6], $0x80, $0x38;
	[tilespmem:$0x1A600] =	vst v63  }
0xd5: {  	s17 =	sadd.s32 $0x70, s14;
	s14 =	sadd.s32 $0x1000, s14;
	s15 =	smov.u32 s18  }
0xd6: {  	[hbm4b:s17+s3] =	stream.linear.scatter [tilespmem:s16], [sflag:$0x6], $0x80, $0x38;
	[tilespmem:$0x1A600] =	vst v63  }
0xd7: {  	s15 =	sadd.s32 $0x13A00, s13  }
0xd8: {  	[hbm4b:s14+s3] =	stream.linear.scatter [tilespmem:s15], [sflag:$0x6], $0x80, $0x38;
	[tilespmem:$0x1A600] =	vst v63  }
0xd9: {  	s17 =	sadd.s32 $0x13A90, s13;
	s18 =	sadd.s32 $0x10, s14  }
0xda: {  	[hbm4b:s18+s3] =	stream.linear.scatter [tilespmem:s17], [sflag:$0x6], $0x80, $0x38;
	[tilespmem:$0x1A600] =	vst v63  }
0xdb: {  	s17 =	sadd.s32 $0x13B20, s13;
	s18 =	sadd.s32 $0x20, s14  }
0xdc: {  	[hbm4b:s18+s3] =	stream.linear.scatter [tilespmem:s17], [sflag:$0x6], $0x80, $0x38;
	[tilespmem:$0x1A600] =	vst v63  }
0xdd: {  	s17 =	sadd.s32 $0x13BB0, s13;
	s18 =	sadd.s32 $0x30, s14  }
0xde: {  	[hbm4b:s18+s3] =	stream.linear.scatter [tilespmem:s17], [sflag:$0x6], $0x80, $0x38;
	[tilespmem:$0x1A600] =	vst v63  }
0xdf: {  	s17 =	sadd.s32 $0x13C40, s13;
	s18 =	sadd.s32 $0x40, s14  }
0xe0: {  	[hbm4b:s18+s3] =	stream.linear.scatter [tilespmem:s17], [sflag:$0x6], $0x80, $0x38;
	[tilespmem:$0x1A600] =	vst v63  }
0xe1: {  	s17 =	sadd.s32 $0x13CD0, s13;
	s18 =	sadd.s32 $0x50, s14  }
0xe2: {  	[hbm4b:s18+s3] =	stream.linear.scatter [tilespmem:s17], [sflag:$0x6], $0x80, $0x38;
	[tilespmem:$0x1A600] =	vst v63  }
0xe3: {  	s17 =	sadd.s32 $0x13D60, s13;
	s18 =	sadd.s32 $0x60, s14  }
0xe4: {  	[hbm4b:s18+s3] =	stream.linear.scatter [tilespmem:s17], [sflag:$0x6], $0x80, $0x38;
	[tilespmem:$0x1A600] =	vst v63  }
0xe5: {  	s16 =	sadd.s32 $0x13DF0, s13;
	s17 =	sadd.s32 $0x70, s14  }
0xe6: {  	[hbm4b:s17+s3] =	stream.linear.scatter [tilespmem:s16], [sflag:$0x6], $0x80, $0x38;
	[tilespmem:$0x1A600] =	vst v63  }
0xe7: {  	_ =	swait.ge [sflag:s23], $0x2000  }
0xe8: {  	[sflag:s23] =	ssyncset.done $0x0  }
0xe9: {  	s14 =	simm.s32 @!p0 $0x7;
	[sflag:s23] =	ssyncadd.s32 $0xFFFFE000  }
0xea: {  	s13 =	sor.u32 $0x2, s12;
	_ =	swait.ge @!p0 [sflag:s14], $0x2000  }
0xeb: {  	s18 =	sshll.u32 s13, $0x6;
	[sflag:s14] =	ssyncset.done @!p0 $0x0  }
0xec: {  	s16 =	sand.u32 $0x3FFFFFC0, s18;
	[sflag:s14] =	ssyncadd.s32 @!p0 $0xFFFFE000  }
0xed: {  	v4 =	vld [tilespmem:s16+$0x6400]  }
0xee: {  	v5 =	vld [tilespmem:s16+$0x6410]  }
0xef: {  	v6 =	vld [tilespmem:s16+$0x6420]  }
0xf0: {  	s14 =	simm.s32 $0xD640;
	v7 =	vld [tilespmem:s16+$0x6430]  }
0xf1: {  	v8 =	vld [tilespmem:s14+$0xFFFFFFC0]  }
0xf2: {  	s17 =	simm.s32 $0x0;
	v9 =	vld [tilespmem:s14+$0xFFFFFFD0]  }
0xf3: {  	v10 =	vmov s17;
	v11 =	vld [tilespmem:s14+$0xFFFFFFE0]  }
0xf4: {  	v10 =	vand.u32 $0x7E, v10;
	v12 =	vld [tilespmem:s14+$0xFFFFFFF0]  }
0xf5: {  	s18 =	simm.s32 $0x1;
	v14 =	vadd.s32 v0, v10;
	v13 =	vld [tilespmem:s14+$0x0]  }
0xf6: {  	v18 =	vmov s18;
	v16 =	vadd.s32 v1, v10;
	v15 =	vld [tilespmem:s14+$0x10];
	v8 =	vmul.f32 $8.000000000e+00, v8  }
0xf7: {  	v17 =	vadd.s32 v3, v10;
	v10 =	vadd.s32 v2, v10;
	v9 =	vmul.f32 $8.000000000e+00, v9  }
0xf8: {  	v18 =	vand.u32 $0x7F, v18;
	v11 =	vmul.f32 $8.000000000e+00, v11;
	v8 =	vadd.f32 v8, v4  }
0xf9: {  	v21 =	vadd.s32 v0, v18;
	v19 =	vld [tilespmem:s14+$0x20];
	v12 =	vmul.f32 $8.000000000e+00, v12;
	v9 =	vadd.f32 v9, v5  }
0xfa: {  	v20 =	vld [tilespmem:s14+$0x30];
	v13 =	vmul.f32 $8.000000000e+00, v13;
	v11 =	vadd.f32 v11, v6;
	[tilespmem:v14+s24+$0x0] =	vst.idx.msk $0xffff, v8;
	v8 =	vadd.s32 v1, v18  }
0xfb: {  	v60 =	vmul.f32 $8.000000000e+00, v15;
	v12 =	vadd.f32 v12, v7;
	[tilespmem:v16+s24+$0x0] =	vst.idx.msk $0xffff, v9  }
0xfc: {  	v9 =	vadd.f32 v13, v4;
	[tilespmem:v10+s24+$0x0] =	vst.idx.msk $0xffff, v11  }
0xfd: {  	v61 =	vadd.s32 v2, v18;
	v10 =	vadd.f32 v60, v5;
	[tilespmem:v17+s24+$0x0] =	vst.idx.msk $0xffff, v12  }
0xfe: {  	v62 =	vmul.f32 $8.000000000e+00, v19;
	[tilespmem:v21+s24+$0x0] =	vst.idx.msk $0xffff, v9  }
0xff: {  	[tilespmem:v8+s24+$0x0] =	vst.idx.msk $0xffff, v10;
	v8 =	vadd.s32 v3, v18  }
0x100: {  	v63 =	vadd.f32 v62, v6;
	v11 =	vmul.f32 $8.000000000e+00, v20;
	_ =	sdelay $0x1  }
0x101: {  	s15 =	simm.s32 $0x2;
	v9 =	vadd.f32 v11, v7;
	[tilespmem:v61+s24+$0x0] =	vst.idx.msk $0xffff, v63  }
.LBB2_11:
0x102: {  	p2 =	sne.s32 s15, $0x7E  }
0x103: {  	[tilespmem:v8+s24+$0x0] =	vst.idx.msk $0xffff, v9;
	s14 =	sadd.s32 $0x80, s14;
	s16 =	smov.u32 s15;
	s15 =	sadd.s32 $0x2, s15  }
0x104: {  	v8 =	vld [tilespmem:s14+$0xFFFFFFC0]  }
0x105: {  	v9 =	vld [tilespmem:s14+$0xFFFFFFD0]  }
0x106: {  	v10 =	vmov s16;
	v11 =	vld [tilespmem:s14+$0xFFFFFFE0]  }
0x107: {  	v10 =	vand.u32 $0x7E, v10;
	v12 =	vld [tilespmem:s14+$0xFFFFFFF0]  }
0x108: {  	v14 =	vadd.s32 v0, v10;
	v13 =	vld [tilespmem:s14+$0x0]  }
0x109: {  	s16 =	sadd.s32 $0x1, s16;
	v16 =	vadd.s32 v1, v10;
	v17 =	vadd.s32 v3, v10;
	v8 =	vmul.f32 $8.000000000e+00, v8;
	v15 =	vld [tilespmem:s14+$0x10]  }
0x10a: {  	v18 =	vmov s16;
	v10 =	vadd.s32 v2, v10;
	v9 =	vmul.f32 $8.000000000e+00, v9;
	v19 =	vld [tilespmem:s14+$0x20]  }
0x10b: {  	v18 =	vand.u32 $0x7F, v18;
	v8 =	vadd.f32 v8, v4;
	v11 =	vmul.f32 $8.000000000e+00, v11;
	v20 =	vld [tilespmem:s14+$0x30]  }
0x10c: {  	v21 =	vadd.s32 v0, v18;
	v9 =	vadd.f32 v9, v5;
	v12 =	vmul.f32 $8.000000000e+00, v12  }
0x10d: {  	v11 =	vadd.f32 v11, v6;
	v13 =	vmul.f32 $8.000000000e+00, v13;
	[tilespmem:v14+s24+$0x0] =	vst.idx.msk $0xffff, v8;
	v14 =	vadd.s32 v1, v18  }
0x10e: {  	v12 =	vadd.f32 v12, v7;
	v15 =	vmul.f32 $8.000000000e+00, v15;
	[tilespmem:v16+s24+$0x0] =	vst.idx.msk $0xffff, v9;
	v16 =	vadd.s32 v2, v18  }
.Ltmp4:
0x10f: {  	v8 =	vadd.s32 v3, v18;
	v9 =	vadd.f32 v13, v4;
	v13 =	vmul.f32 $8.000000000e+00, v19;
	[tilespmem:v10+s24+$0x0] =	vst.idx.msk $0xffff, v11;
	(pc) =	sbr.rel @p2 .LBB2_11-.Ltmp4, $4  }
0x110: {  	v10 =	vadd.f32 v15, v5;
	v11 =	vmul.f32 $8.000000000e+00, v20;
	[tilespmem:v17+s24+$0x0] =	vst.idx.msk $0xffff, v12  }
0x111: {  	v12 =	vadd.f32 v13, v6;
	[tilespmem:v21+s24+$0x0] =	vst.idx.msk $0xffff, v9  }
0x112: {  	v9 =	vadd.f32 v11, v7;
	[tilespmem:v14+s24+$0x0] =	vst.idx.msk $0xffff, v10  }
0x113: {  	[tilespmem:v16+s24+$0x0] =	vst.idx.msk $0xffff, v12  }
0x114: {  	_ =	sdelay $0x2  }
0x115: {  	s14 =	sadd.s32 @!p1 $0x300, s10  }
0x116: {  	[tilespmem:v8+s24+$0x0] =	vst.idx.msk $0xffff, v9;
	s15 =	simm.s32 @!p1 $0x80;
	s16 =	simm.s32 @!p1 $0xD600;
	s13 =	sshll.u32 s13, $0x12  }
0x117: {  	[tilespmem:s16], [sflag:$0x3] =	stream.indirect.gather @!p1 [hbm4b:s4+s15], $0x40, s14, s15, $0xb8;
	[tilespmem:$0x1A600] =	vst v63  }
0x118: {  	s13 =	sor.u32 s7, s13  }
0x119: {  	s13 =	sshrl.u32 s13, $0x3  }
0x11a: {  	s18 =	simm.s32 $0x15E00;
	s14 =	sadd.s32 s2, s13  }
0x11b: {  	[hbm4b:s14+s3] =	stream.linear.scatter [tilespmem:s18], [sflag:$0x7], $0x80, $0x38;
	[tilespmem:$0x1A600] =	vst v63  }
0x11c: {  	s15 =	simm.s32 $0x15E90;
	s16 =	sadd.s32 $0x10, s14  }
0x11d: {  	[hbm4b:s16+s3] =	stream.linear.scatter [tilespmem:s15], [sflag:$0x7], $0x80, $0x38;
	[tilespmem:$0x1A600] =	vst v63  }
0x11e: {  	s17 =	simm.s32 $0x15F20;
	s18 =	sadd.s32 $0x20, s14  }
0x11f: {  	[hbm4b:s18+s3] =	stream.linear.scatter [tilespmem:s17], [sflag:$0x7], $0x80, $0x38;
	[tilespmem:$0x1A600] =	vst v63  }
0x120: {  	s15 =	simm.s32 $0x15FB0;
	s16 =	sadd.s32 $0x30, s14  }
0x121: {  	[hbm4b:s16+s3] =	stream.linear.scatter [tilespmem:s15], [sflag:$0x7], $0x80, $0x38;
	[tilespmem:$0x1A600] =	vst v63  }
0x122: {  	s17 =	simm.s32 $0x16040;
	s18 =	sadd.s32 $0x40, s14  }
0x123: {  	[hbm4b:s18+s3] =	stream.linear.scatter [tilespmem:s17], [sflag:$0x7], $0x80, $0x38;
	[tilespmem:$0x1A600] =	vst v63  }
0x124: {  	s13 =	simm.s32 $0x480;
	s15 =	simm.s32 $0x160D0;
	s16 =	sadd.s32 $0x50, s14  }
0x125: {  	[hbm4b:s16+s3] =	stream.linear.scatter [tilespmem:s15], [sflag:$0x7], $0x80, $0x38;
	[tilespmem:$0x1A600] =	vst v63  }
0x126: {  	s17 =	simm.s32 $0x16160;
	s18 =	sadd.s32 $0x60, s14;
	s15 =	simm.s32 $0x2400  }
0x127: {  	[hbm4b:s18+s3] =	stream.linear.scatter [tilespmem:s17], [sflag:$0x7], $0x80, $0x38;
	[tilespmem:$0x1A600] =	vst v63  }
0x128: {  	s16 =	simm.s32 $0x161F0;
	s17 =	sadd.s32 $0x70, s14;
	s14 =	sadd.s32 $0x1000, s14  }
.LBB2_13:
0x129: {  	[hbm4b:s17+s3] =	stream.linear.scatter [tilespmem:s16], [sflag:$0x7], $0x80, $0x38;
	[tilespmem:$0x1A600] =	vst v63  }
0x12a: {  	s16 =	smov.u32 s13;
	s13 =	smov.u32 s15  }
0x12b: {  	s18 =	sadd.s32 $0x1200, s15;
	s13 =	sshra.s32 s13, $0x2;
	s17 =	sadd.s32 $0x15E00, s16  }
0x12c: {  	[hbm4b:s14+s3] =	stream.linear.scatter [tilespmem:s17], [sflag:$0x7], $0x80, $0x38;
	[tilespmem:$0x1A600] =	vst v63  }
0x12d: {  	p2 =	sne.s32 s15, $0x7E00;
	s15 =	sadd.s32 $0x15E90, s16;
	s17 =	sadd.s32 $0x10, s14  }
0x12e: {  	[hbm4b:s17+s3] =	stream.linear.scatter [tilespmem:s15], [sflag:$0x7], $0x80, $0x38;
	[tilespmem:$0x1A600] =	vst v63  }
0x12f: {  	s15 =	sadd.s32 $0x15F20, s16;
	s17 =	sadd.s32 $0x20, s14  }
0x130: {  	[hbm4b:s17+s3] =	stream.linear.scatter [tilespmem:s15], [sflag:$0x7], $0x80, $0x38;
	[tilespmem:$0x1A600] =	vst v63  }
0x131: {  	s15 =	sadd.s32 $0x15FB0, s16;
	s17 =	sadd.s32 $0x30, s14  }
0x132: {  	[hbm4b:s17+s3] =	stream.linear.scatter [tilespmem:s15], [sflag:$0x7], $0x80, $0x38;
	[tilespmem:$0x1A600] =	vst v63  }
0x133: {  	s15 =	sadd.s32 $0x16040, s16;
	s17 =	sadd.s32 $0x40, s14  }
0x134: {  	[hbm4b:s17+s3] =	stream.linear.scatter [tilespmem:s15], [sflag:$0x7], $0x80, $0x38;
	[tilespmem:$0x1A600] =	vst v63  }
.Ltmp5:
0x135: {  	s15 =	sadd.s32 $0x160D0, s16;
	s17 =	sadd.s32 $0x50, s14;
	(pc) =	sbr.rel @p2 .LBB2_13-.Ltmp5, $4  }
0x136: {  	[hbm4b:s17+s3] =	stream.linear.scatter [tilespmem:s15], [sflag:$0x7], $0x80, $0x38;
	[tilespmem:$0x1A600] =	vst v63  }
0x137: {  	s15 =	sadd.s32 $0x16160, s16;
	s17 =	sadd.s32 $0x60, s14;
	s16 =	sadd.s32 $0x161F0, s16  }
0x138: {  	[hbm4b:s17+s3] =	stream.linear.scatter [tilespmem:s15], [sflag:$0x7], $0x80, $0x38;
	[tilespmem:$0x1A600] =	vst v63  }
0x139: {  	s17 =	sadd.s32 $0x70, s14;
	s14 =	sadd.s32 $0x1000, s14;
	s15 =	smov.u32 s18  }
0x13a: {  	[hbm4b:s17+s3] =	stream.linear.scatter [tilespmem:s16], [sflag:$0x7], $0x80, $0x38;
	[tilespmem:$0x1A600] =	vst v63  }
0x13b: {  	s15 =	sadd.s32 $0x15E00, s13  }
0x13c: {  	[hbm4b:s14+s3] =	stream.linear.scatter [tilespmem:s15], [sflag:$0x7], $0x80, $0x38;
	[tilespmem:$0x1A600] =	vst v63  }
0x13d: {  	s17 =	sadd.s32 $0x15E90, s13;
	s18 =	sadd.s32 $0x10, s14  }
0x13e: {  	[hbm4b:s18+s3] =	stream.linear.scatter [tilespmem:s17], [sflag:$0x7], $0x80, $0x38;
	[tilespmem:$0x1A600] =	vst v63  }
0x13f: {  	s17 =	sadd.s32 $0x15F20, s13;
	s18 =	sadd.s32 $0x20, s14  }
0x140: {  	[hbm4b:s18+s3] =	stream.linear.scatter [tilespmem:s17], [sflag:$0x7], $0x80, $0x38;
	[tilespmem:$0x1A600] =	vst v63  }
0x141: {  	s17 =	sadd.s32 $0x15FB0, s13;
	s18 =	sadd.s32 $0x30, s14  }
0x142: {  	[hbm4b:s18+s3] =	stream.linear.scatter [tilespmem:s17], [sflag:$0x7], $0x80, $0x38;
	[tilespmem:$0x1A600] =	vst v63  }
0x143: {  	s17 =	sadd.s32 $0x16040, s13;
	s18 =	sadd.s32 $0x40, s14  }
0x144: {  	[hbm4b:s18+s3] =	stream.linear.scatter [tilespmem:s17], [sflag:$0x7], $0x80, $0x38;
	[tilespmem:$0x1A600] =	vst v63  }
0x145: {  	s17 =	sadd.s32 $0x160D0, s13;
	s18 =	sadd.s32 $0x50, s14  }
0x146: {  	[hbm4b:s18+s3] =	stream.linear.scatter [tilespmem:s17], [sflag:$0x7], $0x80, $0x38;
	[tilespmem:$0x1A600] =	vst v63  }
0x147: {  	s17 =	sadd.s32 $0x16160, s13;
	s18 =	sadd.s32 $0x60, s14  }
0x148: {  	[hbm4b:s18+s3] =	stream.linear.scatter [tilespmem:s17], [sflag:$0x7], $0x80, $0x38;
	[tilespmem:$0x1A600] =	vst v63  }
0x149: {  	s17 =	sadd.s32 $0x161F0, s13;
	s18 =	sadd.s32 $0x70, s14  }
0x14a: {  	[hbm4b:s18+s3] =	stream.linear.scatter [tilespmem:s17], [sflag:$0x7], $0x80, $0x38;
	[tilespmem:$0x1A600] =	vst v63  }
0x14b: {  	_ =	swait.ge [sflag:s25], $0x2000  }
0x14c: {  	[sflag:s25] =	ssyncset.done $0x0  }
0x14d: {  	s13 =	simm.s32 @!p0 $0x8;
	[sflag:s25] =	ssyncadd.s32 $0xFFFFE000  }
0x14e: {  	s12 =	sor.u32 $0x3, s12;
	_ =	swait.ge @!p0 [sflag:s13], $0x2000  }
0x14f: {  	s15 =	sshll.u32 s12, $0x6;
	[sflag:s13] =	ssyncset.done @!p0 $0x0  }
0x150: {  	s16 =	sand.u32 $0x3FFFFFC0, s15;
	[sflag:s13] =	ssyncadd.s32 @!p0 $0xFFFFE000  }
0x151: {  	v4 =	vld [tilespmem:s16+$0x6400]  }
0x152: {  	v5 =	vld [tilespmem:s16+$0x6410]  }
0x153: {  	v6 =	vld [tilespmem:s16+$0x6420]  }
0x154: {  	s13 =	simm.s32 $0xF640;
	v7 =	vld [tilespmem:s16+$0x6430]  }
0x155: {  	v8 =	vld [tilespmem:s13+$0xFFFFFFC0]  }
0x156: {  	s17 =	simm.s32 $0x0;
	v9 =	vld [tilespmem:s13+$0xFFFFFFD0]  }
0x157: {  	v10 =	vmov s17;
	v11 =	vld [tilespmem:s13+$0xFFFFFFE0]  }
0x158: {  	v10 =	vand.u32 $0x7E, v10;
	v12 =	vld [tilespmem:s13+$0xFFFFFFF0]  }
0x159: {  	s18 =	simm.s32 $0x1;
	v14 =	vadd.s32 v0, v10;
	v13 =	vld [tilespmem:s13+$0x0]  }
0x15a: {  	v18 =	vmov s18;
	v16 =	vadd.s32 v1, v10;
	v15 =	vld [tilespmem:s13+$0x10];
	v8 =	vmul.f32 $8.000000000e+00, v8  }
0x15b: {  	v17 =	vadd.s32 v3, v10;
	v10 =	vadd.s32 v2, v10;
	v9 =	vmul.f32 $8.000000000e+00, v9  }
0x15c: {  	v18 =	vand.u32 $0x7F, v18;
	v11 =	vmul.f32 $8.000000000e+00, v11;
	v8 =	vadd.f32 v8, v4  }
0x15d: {  	v21 =	vadd.s32 v0, v18;
	v19 =	vld [tilespmem:s13+$0x20];
	v12 =	vmul.f32 $8.000000000e+00, v12;
	v9 =	vadd.f32 v9, v5  }
0x15e: {  	v20 =	vld [tilespmem:s13+$0x30];
	v13 =	vmul.f32 $8.000000000e+00, v13;
	v11 =	vadd.f32 v11, v6;
	[tilespmem:v14+s26+$0x0] =	vst.idx.msk $0xffff, v8;
	v8 =	vadd.s32 v1, v18  }
0x15f: {  	v60 =	vmul.f32 $8.000000000e+00, v15;
	v12 =	vadd.f32 v12, v7;
	[tilespmem:v16+s26+$0x0] =	vst.idx.msk $0xffff, v9  }
0x160: {  	v9 =	vadd.f32 v13, v4;
	[tilespmem:v10+s26+$0x0] =	vst.idx.msk $0xffff, v11  }
0x161: {  	v61 =	vadd.s32 v2, v18;
	v10 =	vadd.f32 v60, v5;
	[tilespmem:v17+s26+$0x0] =	vst.idx.msk $0xffff, v12  }
0x162: {  	v62 =	vmul.f32 $8.000000000e+00, v19;
	[tilespmem:v21+s26+$0x0] =	vst.idx.msk $0xffff, v9  }
0x163: {  	[tilespmem:v8+s26+$0x0] =	vst.idx.msk $0xffff, v10;
	v8 =	vadd.s32 v3, v18  }
0x164: {  	v63 =	vadd.f32 v62, v6;
	v11 =	vmul.f32 $8.000000000e+00, v20;
	_ =	sdelay $0x1  }
0x165: {  	s14 =	simm.s32 $0x2;
	v9 =	vadd.f32 v11, v7;
	[tilespmem:v61+s26+$0x0] =	vst.idx.msk $0xffff, v63  }
.LBB2_15:
0x166: {  	p0 =	sne.s32 s14, $0x7E  }
0x167: {  	[tilespmem:v8+s26+$0x0] =	vst.idx.msk $0xffff, v9;
	s13 =	sadd.s32 $0x80, s13;
	s15 =	smov.u32 s14;
	s14 =	sadd.s32 $0x2, s14  }
0x168: {  	v8 =	vld [tilespmem:s13+$0xFFFFFFC0]  }
0x169: {  	v9 =	vld [tilespmem:s13+$0xFFFFFFD0]  }
0x16a: {  	v10 =	vmov s15;
	v11 =	vld [tilespmem:s13+$0xFFFFFFE0]  }
0x16b: {  	v10 =	vand.u32 $0x7E, v10;
	v12 =	vld [tilespmem:s13+$0xFFFFFFF0]  }
0x16c: {  	v14 =	vadd.s32 v0, v10;
	v13 =	vld [tilespmem:s13+$0x0]  }
0x16d: {  	s15 =	sadd.s32 $0x1, s15;
	v16 =	vadd.s32 v1, v10;
	v17 =	vadd.s32 v3, v10;
	v8 =	vmul.f32 $8.000000000e+00, v8;
	v15 =	vld [tilespmem:s13+$0x10]  }
0x16e: {  	v18 =	vmov s15;
	v10 =	vadd.s32 v2, v10;
	v9 =	vmul.f32 $8.000000000e+00, v9;
	v19 =	vld [tilespmem:s13+$0x20]  }
0x16f: {  	v18 =	vand.u32 $0x7F, v18;
	v8 =	vadd.f32 v8, v4;
	v11 =	vmul.f32 $8.000000000e+00, v11;
	v20 =	vld [tilespmem:s13+$0x30]  }
0x170: {  	v21 =	vadd.s32 v0, v18;
	v9 =	vadd.f32 v9, v5;
	v12 =	vmul.f32 $8.000000000e+00, v12  }
0x171: {  	v11 =	vadd.f32 v11, v6;
	v13 =	vmul.f32 $8.000000000e+00, v13;
	[tilespmem:v14+s26+$0x0] =	vst.idx.msk $0xffff, v8;
	v14 =	vadd.s32 v1, v18  }
0x172: {  	v12 =	vadd.f32 v12, v7;
	v15 =	vmul.f32 $8.000000000e+00, v15;
	[tilespmem:v16+s26+$0x0] =	vst.idx.msk $0xffff, v9;
	v16 =	vadd.s32 v2, v18  }
.Ltmp6:
0x173: {  	v8 =	vadd.s32 v3, v18;
	v9 =	vadd.f32 v13, v4;
	v13 =	vmul.f32 $8.000000000e+00, v19;
	[tilespmem:v10+s26+$0x0] =	vst.idx.msk $0xffff, v11;
	(pc) =	sbr.rel @p0 .LBB2_15-.Ltmp6, $4  }
0x174: {  	v10 =	vadd.f32 v15, v5;
	v11 =	vmul.f32 $8.000000000e+00, v20;
	[tilespmem:v17+s26+$0x0] =	vst.idx.msk $0xffff, v12  }
0x175: {  	v12 =	vadd.f32 v13, v6;
	[tilespmem:v21+s26+$0x0] =	vst.idx.msk $0xffff, v9  }
0x176: {  	v9 =	vadd.f32 v11, v7;
	[tilespmem:v14+s26+$0x0] =	vst.idx.msk $0xffff, v10  }
0x177: {  	[tilespmem:v16+s26+$0x0] =	vst.idx.msk $0xffff, v12  }
0x178: {  	_ =	sdelay $0x2  }
0x179: {  	s10 =	sadd.s32 @!p1 $0x380, s10  }
0x17a: {  	[tilespmem:v8+s26+$0x0] =	vst.idx.msk $0xffff, v9;
	s13 =	simm.s32 @!p1 $0x80;
	s14 =	simm.s32 @!p1 $0xF600;
	s17 =	sshll.u32 s12, $0x12  }
0x17b: {  	[tilespmem:s14], [sflag:$0x4] =	stream.indirect.gather @!p1 [hbm4b:s4+s13], $0x40, s10, s13, $0xb8;
	[tilespmem:$0x1A600] =	vst v63  }
0x17c: {  	s10 =	sor.u32 s7, s17  }
0x17d: {  	s10 =	sshrl.u32 s10, $0x3  }
0x17e: {  	s18 =	simm.s32 $0x18200;
	s12 =	sadd.s32 s2, s10  }
0x17f: {  	[hbm4b:s12+s3] =	stream.linear.scatter [tilespmem:s18], [sflag:$0x8], $0x80, $0x38;
	[tilespmem:$0x1A600] =	vst v63  }
0x180: {  	s13 =	simm.s32 $0x18290;
	s14 =	sadd.s32 $0x10, s12  }
0x181: {  	[hbm4b:s14+s3] =	stream.linear.scatter [tilespmem:s13], [sflag:$0x8], $0x80, $0x38;
	[tilespmem:$0x1A600] =	vst v63  }
0x182: {  	s15 =	simm.s32 $0x18320;
	s17 =	simm.s32 $0x183B0;
	s16 =	sadd.s32 $0x20, s12  }
0x183: {  	[hbm4b:s16+s3] =	stream.linear.scatter [tilespmem:s15], [sflag:$0x8], $0x80, $0x38;
	[tilespmem:$0x1A600] =	vst v63  }
0x184: {  	s10 =	simm.s32 $0x480;
	s18 =	sadd.s32 $0x30, s12;
	s13 =	simm.s32 $0x18440  }
0x185: {  	[hbm4b:s18+s3] =	stream.linear.scatter [tilespmem:s17], [sflag:$0x8], $0x80, $0x38;
	[tilespmem:$0x1A600] =	vst v63  }
0x186: {  	s14 =	sadd.s32 $0x40, s12;
	s15 =	simm.s32 $0x184D0;
	s16 =	sadd.s32 $0x50, s12  }
0x187: {  	[hbm4b:s14+s3] =	stream.linear.scatter [tilespmem:s13], [sflag:$0x8], $0x80, $0x38;
	[tilespmem:$0x1A600] =	vst v63  }
0x188: {  	s17 =	simm.s32 $0x18560;
	s18 =	sadd.s32 $0x60, s12;
	s13 =	simm.s32 $0x2400  }
0x189: {  	[hbm4b:s16+s3] =	stream.linear.scatter [tilespmem:s15], [sflag:$0x8], $0x80, $0x38;
	[tilespmem:$0x1A600] =	vst v63  }
0x18a: {  	s14 =	simm.s32 $0x185F0;
	s15 =	sadd.s32 $0x70, s12;
	s12 =	sadd.s32 $0x1000, s12  }
0x18b: {  	[hbm4b:s18+s3] =	stream.linear.scatter [tilespmem:s17], [sflag:$0x8], $0x80, $0x38;
	[tilespmem:$0x1A600] =	vst v63  }
.LBB2_17:
0x18c: {  	[hbm4b:s15+s3] =	stream.linear.scatter [tilespmem:s14], [sflag:$0x8], $0x80, $0x38;
	[tilespmem:$0x1A600] =	vst v63  }
0x18d: {  	s14 =	smov.u32 s10;
	s10 =	smov.u32 s13  }
0x18e: {  	s16 =	sadd.s32 $0x1200, s13;
	s10 =	sshra.s32 s10, $0x2;
	s15 =	sadd.s32 $0x18200, s14  }
0x18f: {  	[hbm4b:s12+s3] =	stream.linear.scatter [tilespmem:s15], [sflag:$0x8], $0x80, $0x38;
	[tilespmem:$0x1A600] =	vst v63  }
0x190: {  	p0 =	sne.s32 s13, $0x7E00;
	s13 =	sadd.s32 $0x18290, s14;
	s15 =	sadd.s32 $0x10, s12  }
0x191: {  	[hbm4b:s15+s3] =	stream.linear.scatter [tilespmem:s13], [sflag:$0x8], $0x80, $0x38;
	[tilespmem:$0x1A600] =	vst v63  }
0x192: {  	s13 =	sadd.s32 $0x18320, s14;
	s15 =	sadd.s32 $0x20, s12  }
0x193: {  	[hbm4b:s15+s3] =	stream.linear.scatter [tilespmem:s13], [sflag:$0x8], $0x80, $0x38;
	[tilespmem:$0x1A600] =	vst v63  }
0x194: {  	s13 =	sadd.s32 $0x183B0, s14;
	s15 =	sadd.s32 $0x30, s12  }
0x195: {  	[hbm4b:s15+s3] =	stream.linear.scatter [tilespmem:s13], [sflag:$0x8], $0x80, $0x38;
	[tilespmem:$0x1A600] =	vst v63  }
0x196: {  	s13 =	sadd.s32 $0x18440, s14;
	s15 =	sadd.s32 $0x40, s12  }
0x197: {  	[hbm4b:s15+s3] =	stream.linear.scatter [tilespmem:s13], [sflag:$0x8], $0x80, $0x38;
	[tilespmem:$0x1A600] =	vst v63  }
.Ltmp7:
0x198: {  	s13 =	sadd.s32 $0x184D0, s14;
	s15 =	sadd.s32 $0x50, s12;
	(pc) =	sbr.rel @p0 .LBB2_17-.Ltmp7, $4  }
0x199: {  	[hbm4b:s15+s3] =	stream.linear.scatter [tilespmem:s13], [sflag:$0x8], $0x80, $0x38;
	[tilespmem:$0x1A600] =	vst v63  }
0x19a: {  	s13 =	sadd.s32 $0x18560, s14;
	s15 =	sadd.s32 $0x60, s12;
	s14 =	sadd.s32 $0x185F0, s14  }
0x19b: {  	[hbm4b:s15+s3] =	stream.linear.scatter [tilespmem:s13], [sflag:$0x8], $0x80, $0x38;
	[tilespmem:$0x1A600] =	vst v63  }
0x19c: {  	s15 =	sadd.s32 $0x70, s12;
	s12 =	sadd.s32 $0x1000, s12;
	s13 =	smov.u32 s16  }
0x19d: {  	[hbm4b:s15+s3] =	stream.linear.scatter [tilespmem:s14], [sflag:$0x8], $0x80, $0x38;
	[tilespmem:$0x1A600] =	vst v63  }
0x19e: {  	s13 =	sadd.s32 $0x18200, s10  }
0x19f: {  	[hbm4b:s12+s3] =	stream.linear.scatter [tilespmem:s13], [sflag:$0x8], $0x80, $0x38;
	[tilespmem:$0x1A600] =	vst v63  }
0x1a0: {  	s17 =	sadd.s32 $0x18290, s10;
	s18 =	sadd.s32 $0x10, s12  }
0x1a1: {  	[hbm4b:s18+s3] =	stream.linear.scatter [tilespmem:s17], [sflag:$0x8], $0x80, $0x38;
	[tilespmem:$0x1A600] =	vst v63  }
0x1a2: {  	s15 =	sadd.s32 $0x18320, s10;
	s16 =	sadd.s32 $0x20, s12  }
0x1a3: {  	[hbm4b:s16+s3] =	stream.linear.scatter [tilespmem:s15], [sflag:$0x8], $0x80, $0x38;
	[tilespmem:$0x1A600] =	vst v63  }
0x1a4: {  	s17 =	sadd.s32 $0x183B0, s10;
	s18 =	sadd.s32 $0x30, s12  }
0x1a5: {  	[hbm4b:s18+s3] =	stream.linear.scatter [tilespmem:s17], [sflag:$0x8], $0x80, $0x38;
	[tilespmem:$0x1A600] =	vst v63  }
0x1a6: {  	s0 =	sadd.s32 $0x1, s0;
	s15 =	sadd.s32 $0x18440, s10;
	s16 =	sadd.s32 $0x40, s12  }
0x1a7: {  	[hbm4b:s16+s3] =	stream.linear.scatter [tilespmem:s15], [sflag:$0x8], $0x80, $0x38;
	[tilespmem:$0x1A600] =	vst v63  }
0x1a8: {  	p0 =	sne.s32 s0, $0x32;
	s17 =	sadd.s32 $0x184D0, s10;
	s18 =	sadd.s32 $0x50, s12  }
0x1a9: {  	[hbm4b:s18+s3] =	stream.linear.scatter [tilespmem:s17], [sflag:$0x8], $0x80, $0x38;
	[tilespmem:$0x1A600] =	vst v63  }
.Ltmp8:
0x1aa: {  	_ = 	snop;
	(pc) =	sbr.rel @p0 .LBB2_2-.Ltmp8, $4  }
0x1ab: {  	s15 =	sadd.s32 $0x18560, s10;
	s16 =	sadd.s32 $0x60, s12  }
0x1ac: {  	[hbm4b:s16+s3] =	stream.linear.scatter [tilespmem:s15], [sflag:$0x8], $0x80, $0x38;
	[tilespmem:$0x1A600] =	vst v63  }
0x1ad: {  	s17 =	sadd.s32 $0x185F0, s10;
	s18 =	sadd.s32 $0x70, s12  }
0x1ae: {  	[hbm4b:s18+s3] =	stream.linear.scatter [tilespmem:s17], [sflag:$0x8], $0x80, $0x38;
	[tilespmem:$0x1A600] =	vst v63  }
0x1af: {  	_ =	swait.ge [sflag:s28], $0x2000  }
0x1b0: {  	[sflag:s28] =	ssyncset.done $0x0  }
0x1b1: {  	[sflag:s28] =	ssyncadd.s32 $0xFFFFE000  }
0x1b2: {  	_ =	swait.ge [sflag:s29], $0x2000  }
0x1b3: {  	[sflag:s29] =	ssyncset.done $0x0  }
0x1b4: {  	s1 =	sadd.s32 $0x1, s1;
	[sflag:s29] =	ssyncadd.s32 $0xFFFFE000  }
0x1b5: {  	p0 =	sne.s32 s1, s8;
	_ =	swait.ge [sflag:s30], $0x2000  }
.Ltmp9:
0x1b6: {  	[sflag:s30] =	ssyncset.done $0x0;
	(pc) =	sbr.rel @p0 .LBB2_1-.Ltmp9, $4  }
0x1b7: {  	[sflag:s30] =	ssyncadd.s32 $0xFFFFE000  }
0x1b8: {  	_ =	swait.ge [sflag:s31], $0x2000  }
0x1b9: {  	[sflag:s31] =	ssyncset.done $0x0  }
0x1ba: {  	[sflag:s31] =	ssyncadd.s32 $0xFFFFE000  }
0x1bb: {  	_ =	sfence.sel $0x180000  }
0x1bc: {  	[bflag:$0x0] =	sbarrier.arrive $0xFFFF  }
0x1bd: {  	_ =	strace $0x90000047  }
0x1be: {  	s0 =	stileid.u32;
	[bflag:$0x2] =	sbarrier.arrive $0xFFFF  }
0x1bf: {  	p0 =	sne.s32 s0, $0x0;
	s0 =	rddreg [dreg:$0x2]  }
0x1c0: {  	s0 =	sadd.s32 @!p0 $0x100000, s0  }
0x1c1: {  	[sflag:s0] =	ssyncadd.tile.s32 @!p0 $0x1;
	_ =	shalt  }
.Lfunc_end2:
_tile_overlayer_lowered:
.L_overlay_start_2:
0x1c2: {  	(tag) =	ssettag $0x2  }
0x1c3: {  	s0 =	rddreg [dreg:$0x0];
	s2 =	stileid.u32  }
0x1c4: {  	s1 =	rddreg [dreg:$0x1];
	p0 =	sne.s32 s2, $0x0  }
0x1c5: {  	s3 =	rddreg [dreg:$0x2];
	[bflag:$0x3] =	sbarrier.arrive $0xFFFF;
	s2 =	simm.s32 @!p0 $0x1C09  }
0x1c6: {  	[timem:s3], [sflag:s2] =	dma.local @!p0 [hbm:s0], s1  }
0x1c7: {  	s0 =	simm.s32 @!p0 $0x9  }
0x1c8: {  	_ =	swait.ge @!p0 [sflag:s0], s1  }
0x1c9: {  	s1 =	ssub.s32 @!p0 $0x0, s1;
	[sflag:s0] =	ssyncset.done @!p0 $0x0  }
0x1ca: {  	[sflag:s0] =	ssyncadd.s32 @!p0 s1  }
0x1cb: {  	[bflag:$0x3] =	sbarrier.arrive $0xFFFF  }
0x1cc: {  	_ =	shalt  }

</sc_bundles>
